<compile_context>
chip_gen: v7x
topology: tpu7x:2x2x1
jax: 0.10.2.dev20260603
libtpu: 0.0.44.dev20260713+nightly
codegen_flags: <defaults>
</compile_context>

<pallas_src>
import functools

import numpy as np
import jax
import jax.numpy as jnp
from jax import lax
from jax.experimental import pallas as pl
from jax.experimental.pallas import tpu as pltpu
from jax.experimental.pallas import tpu_sc as plsc

_T, _N, _E = 20, 5000, 40000
_NPAD, _EPAD = 5120, 40960
_D = 48
_VW = 16
_HID = 36
_NC, _NS = 2, 16
_NW = _NC * _NS
_BPW = _EPAD // _NW
_ICH = 128
_CH = _BPW // _ICH
_CHP = 16
_NBLK = 640
_EBLK = 4096


def _build_consts():
    pairs = [(2, 9), (2, 10), (5, 3), (5, 4), (10, 1), (10, 2)]
    crs, cis = [], []
    for hop, f in pairs:
        n_fft = 2 * hop
        pad = hop
        w = 0.5 - 0.5 * np.cos(2 * np.pi * np.arange(n_fft) / n_fft)
        proj = np.zeros((n_fft, _T))
        for k in range(n_fft):
            t = f * hop + k - pad
            if t < 0:
                t = -t
            if t >= _T:
                t = 2 * (_T - 1) - t
            proj[k, t] += 1.0
        kk = np.arange(n_fft)
        for b in range(n_fft // 2 + 1):
            crs.append((np.cos(2 * np.pi * b * kk / n_fft) * w) @ proj)
            cis.append((-np.sin(2 * np.pi * b * kk / n_fft) * w) @ proj)
    cr = np.stack(crs)
    ci = np.stack(cis)
    nk = cr.shape[0]
    qq = np.zeros((64, 240))
    rm = np.zeros((240, nk))
    for c in range(3):
        for k in range(nk):
            for t in range(_T):
                qq[3 * t + c, c * 80 + k] = cr[k, t]
                qq[3 * t + c, c * 80 + 40 + k] = ci[k, t]
            rm[c * 80 + k, k] = 1.0
            rm[c * 80 + 40 + k, k] = 1.0
    col_a = list(range(0, 3)) + list(range(6, 12)) + list(range(18, 29))
    col_b = list(range(3, 6)) + list(range(12, 18)) + list(range(29, 40))
    ws = np.zeros((nk, _D))
    for k in range(20):
        ws[col_a[k], 16 + k] += 0.5
        ws[col_b[k], 16 + k] += 0.5
    selx = np.zeros((_D, _VW))
    for i in range(3):
        selx[36 + i, i] = 1.0
    e3m = np.zeros((8, _VW))
    e3m[0, 3] = 1.0
    p3 = np.zeros((_VW, 3))
    for i in range(3):
        p3[i, i] = 1.0
    p1 = np.zeros((_VW, 1))
    p1[3, 0] = 1.0
    sx = np.zeros((8, 3))
    for i in range(3):
        sx[i, i] = 1.0
    f32 = np.float32
    return (qq.astype(f32), rm.astype(f32), ws.astype(f32), selx.astype(f32),
            e3m.astype(f32), p3.astype(f32), p1.astype(f32), sx.astype(f32))


(_QQ, _RM, _WS, _SELX, _E3M, _P3, _P1, _SX) = _build_consts()


def _node_body(sig_ref, xh_ref, qq_ref, rm_ref, ws_ref, wxh_ref, out_ref):
    f32 = jnp.float32
    proj = jnp.dot(sig_ref[...], qq_ref[...], preferred_element_type=f32)
    mag2 = jnp.dot(proj * proj, rm_ref[...], preferred_element_type=f32)
    s = jnp.sqrt(mag2 * (1.0 / 3.0))
    out_ref[...] = (jnp.dot(s, ws_ref[...], preferred_element_type=f32)
                    + jnp.dot(xh_ref[...], wxh_ref[...],
                              preferred_element_type=f32))


def _node_table(sig_p, xh_p, wxh):
    nb = _NPAD // _NBLK
    return pl.pallas_call(
        _node_body,
        grid=(nb,),
        in_specs=[
            pl.BlockSpec((_NBLK, 64), lambda i: (i, 0)),
            pl.BlockSpec((_NBLK, 8), lambda i: (i, 0)),
            pl.BlockSpec((64, 240), lambda i: (0, 0)),
            pl.BlockSpec((240, 40), lambda i: (0, 0)),
            pl.BlockSpec((40, _D), lambda i: (0, 0)),
            pl.BlockSpec((8, _D), lambda i: (0, 0)),
        ],
        out_specs=pl.BlockSpec((_NBLK, _D), lambda i: (i, 0)),
        out_shape=jax.ShapeDtypeStruct((_NPAD, _D), jnp.float32),
    )(sig_p, xh_p, jnp.asarray(_QQ), jnp.asarray(_RM), jnp.asarray(_WS), wxh)


@functools.lru_cache(maxsize=None)
def _sc_kernels():
    mesh = plsc.VectorSubcoreMesh(core_axis_name="c", subcore_axis_name="s")

    @functools.partial(
        pl.kernel,
        out_type=jax.ShapeDtypeStruct((2 * _EPAD, 128), jnp.float32),
        mesh=mesh,
        scratch_types=[
            pltpu.VMEM((_CHP, _ICH), jnp.int32),
            pltpu.VMEM((_CHP, _ICH), jnp.int32),
            pltpu.VMEM((2 * _BPW, _D), jnp.float32),
            pltpu.SemaphoreType.DMA,
        ],
        compiler_params=pltpu.CompilerParams(use_tc_tiling_on_sc=False),
    )
    def _sc_gather(table_hbm, row_hbm, col_hbm, out_hbm, idx_r, idx_c,
                   rows_v, sem):
        cid = lax.axis_index("c")
        sid = lax.axis_index("s")
        wid = sid * _NC + cid
        pltpu.sync_copy(row_hbm.at[wid], idx_r)
        pltpu.sync_copy(col_hbm.at[wid], idx_c)
        cps = []
        for half, idx_v in enumerate((idx_r, idx_c)):
            for j in range(_CH):
                cps.append(pltpu.async_copy(
                    table_hbm.at[idx_v.at[j]],
                    rows_v.at[pl.ds((half * _CH + j) * _ICH, _ICH)], sem))
        for cp in cps:
            cp.wait()
        for half in range(2):
            pltpu.sync_copy(
                rows_v.at[pl.ds(half * _BPW, _BPW)],
                out_hbm.at[pl.ds(half * _EPAD + wid * _BPW, _BPW),
                           pl.ds(0, _D)])

    @functools.partial(
        pl.kernel,
        out_type=jax.ShapeDtypeStruct((_NC, _NPAD, 128), jnp.float32),
        mesh=mesh,
        scratch_types=[
            pltpu.VMEM((_CHP, _ICH), jnp.int32),
            pltpu.VMEM((_BPW, _VW), jnp.float32),
            pltpu.VMEM_SHARED((_NPAD, _VW), jnp.float32),
        ],
        compiler_params=pltpu.CompilerParams(use_tc_tiling_on_sc=False),
    )
    def _sc_scatter(vals_hbm, row_hbm, zero_hbm, out_hbm, idx_v, vals_v,
                    acc_sh):
        cid = lax.axis_index("c")
        sid = lax.axis_index("s")
        wid = sid * _NC + cid

        @pl.when(sid == 0)
        def _init():
            pltpu.sync_copy(zero_hbm, acc_sh)

        plsc.subcore_barrier()
        pltpu.sync_copy(row_hbm.at[wid], idx_v)
        pltpu.sync_copy(
            vals_hbm.at[pl.ds(wid * _BPW, _BPW), pl.ds(0, _VW)], vals_v)
        for j in range(_CH):
            pltpu.sync_copy(vals_v.at[pl.ds(j * _ICH, _ICH)],
                            acc_sh.at[idx_v.at[j]], add=True)
        plsc.subcore_barrier()

        @pl.when(sid == 0)
        def _flush():
            pltpu.sync_copy(
                acc_sh, out_hbm.at[cid, pl.ds(0, _NPAD), pl.ds(0, _VW)])

    return _sc_gather, _sc_scatter


def _edge_body(src_ref, tgt_ref, ea_ref, selx_ref, e3m_ref, w1s_ref,
               w1t_ref, w1e_ref, wb_ref, w2_ref, w3_ref, w4_ref, out_ref):
    f32 = jnp.float32
    src = src_ref[:, :_D]
    tgt = tgt_ref[:, :_D]
    ea = ea_ref[...]
    wb = wb_ref[...]
    d16 = jnp.dot(src - tgt, selx_ref[...], preferred_element_type=f32)
    radial = jnp.sum(d16 * d16, axis=1, keepdims=True)
    dirn = d16 / (jnp.sqrt(radial) + 1.0)
    z = (jnp.dot(src, w1s_ref[...], preferred_element_type=f32)
         + jnp.dot(tgt, w1t_ref[...], preferred_element_type=f32)
         + lax.dot_general(ea, w1e_ref[...], (((0,), (0,)), ((), ())),
                           preferred_element_type=f32)
         + radial * wb[0:1, :] + wb[1:2, :])
    m = z / (1.0 + jnp.exp(-z))
    z2 = jnp.dot(m, w2_ref[...], preferred_element_type=f32) + wb[2:3, :]
    m2 = z2 / (1.0 + jnp.exp(-z2))
    z3 = jnp.dot(m2, w3_ref[...], preferred_element_type=f32) + wb[3:4, :]
    t1 = z3 / (1.0 + jnp.exp(-z3))
    sc = jnp.dot(t1, w4_ref[...], preferred_element_type=f32)
    trans = jnp.clip(dirn * sc, -100.0, 100.0)
    out_ref[:, :_VW] = trans + e3m_ref[0:1, :]


def _edge_mlp(gathered, ea_p, w1s, w1t, w1e, wb, w2, w3, w4):
    nb = _EPAD // _EBLK
    return pl.pallas_call(
        _edge_body,
        grid=(nb,),
        in_specs=[
            pl.BlockSpec((_EBLK, 128), lambda i: (i, 0)),
            pl.BlockSpec((_EBLK, 128), lambda i, nb=nb: (i + nb, 0)),
            pl.BlockSpec((3, _EBLK), lambda i: (0, i)),
            pl.BlockSpec((_D, _VW), lambda i: (0, 0)),
            pl.BlockSpec((8, _VW), lambda i: (0, 0)),
            pl.BlockSpec((_D, _HID), lambda i: (0, 0)),
            pl.BlockSpec((_D, _HID), lambda i: (0, 0)),
            pl.BlockSpec((3, _HID), lambda i: (0, 0)),
            pl.BlockSpec((8, _HID), lambda i: (0, 0)),
            pl.BlockSpec((_HID, _HID), lambda i: (0, 0)),
            pl.BlockSpec((_HID, _HID), lambda i: (0, 0)),
            pl.BlockSpec((_HID, 1), lambda i: (0, 0)),
        ],
        out_specs=pl.BlockSpec((_EBLK, 128), lambda i: (i, 0)),
        out_shape=jax.ShapeDtypeStruct((_EPAD, 128), jnp.float32),
    )(gathered, gathered, ea_p, jnp.asarray(_SELX), jnp.asarray(_E3M),
      w1s, w1t, w1e, wb, w2, w3, w4)


def _comb_body(p_ref, xh_ref, p3_ref, p1s_ref, sx_ref, out_ref):
    f32 = jnp.float32
    a = (p_ref[0] + p_ref[1])[:_N, :_VW]
    tr = jnp.dot(a, p3_ref[...], preferred_element_type=f32)
    cnt = jnp.dot(a, p1s_ref[...], preferred_element_type=f32)
    x19 = jnp.dot(xh_ref[:_N], sx_ref[...], preferred_element_type=f32)
    out_ref[...] = x19 + tr / jnp.maximum(cnt, 1.0)


def _combine(partials, xh_p):
    return pl.pallas_call(
        _comb_body,
        out_shape=jax.ShapeDtypeStruct((_N, 3), jnp.float32),
    )(partials, xh_p, jnp.asarray(_P3), jnp.asarray(_P1), jnp.asarray(_SX))


def kernel(h, x, edges, edge_attr, emb_W, emb_b, time_emb, We1, be1, We2,
           be2, Wc1, bc1, Wc2, Wn1, bn1, Wn2, bn2, theta):
    f32 = jnp.float32
    sig = jnp.transpose(x, (1, 0, 2)).reshape(_N, 3 * _T)
    sig_p = jnp.pad(sig, ((0, _NPAD - _N), (0, 4)))
    x19 = x[_T - 1]
    xh_p = jnp.pad(
        jnp.concatenate([x19, h, jnp.ones((_N, 1), f32)], axis=1),
        ((0, _NPAD - _N), (0, 3)))
    wxh = (jnp.zeros((8, _D), f32)
           .at[0, 36].set(1.0).at[1, 37].set(1.0).at[2, 38].set(1.0)
           .at[3, :16].set(emb_W[0])
           .at[4, :16].set(emb_b + time_emb[_T - 1]))
    table = _node_table(sig_p, xh_p, wxh)

    zpad = jnp.full((_EPAD - _E,), _N, jnp.int32)

    def _idx3(v):
        v = jnp.concatenate([v, zpad]).reshape(_NW, _CH, _ICH)
        return jnp.pad(v, ((0, 0), (0, _CHP - _CH), (0, 0)))

    rowp = _idx3(edges[0])
    colp = _idx3(edges[1])
    sc_gather, sc_scatter = _sc_kernels()
    gathered = sc_gather(table, rowp, colp)

    ea_p = jnp.pad(edge_attr.T, ((0, 0), (0, _EPAD - _E)))
    w1 = We1[0]
    w1s = jnp.pad(w1[:_HID], ((0, _D - _HID), (0, 0)))
    w1t = jnp.pad(w1[_HID:2 * _HID], ((0, _D - _HID), (0, 0)))
    w1e = w1[2 * _HID + 1:]
    wb = jnp.pad(
        jnp.stack([w1[2 * _HID], be1[0], be2[0], bc1[0]]), ((0, 4), (0, 0)))
    vals = _edge_mlp(gathered, ea_p, w1s, w1t, w1e, wb, We2[0], Wc1[0], Wc2[0])

    partials = sc_scatter(vals, rowp, jnp.zeros((_NPAD, _VW), f32))
    return _combine(partials, xh_p)

# --- scband reference (transcript-rebuilt; emitter-appended) ---
"""Pipeline reference for scband-ms-stft-23295902614289 (READ-ONLY COPY).

The authoritative reference and input builder live on the scoring server;
editing this copy changes nothing except your own understanding.
"""

import jax, jax.numpy as jnp
import numpy as np

N_NODES = 5000
N_EDGES = 40000
T = 20
IN_NODE = 1
IN_EDGE = 3
HID0 = 16
HID = HID0 + 3 + 6 + 11
N_LAYERS = 1
NUM_FUTURE = 1
HOPS = (2, 5, 10)


def _uni(key, shape, fan_in):
    b = 1.0 / np.sqrt(fan_in)
    return jax.random.uniform(key, shape, minval=-b, maxval=b, dtype=jnp.float32)


def _hann(win):
    n = jnp.arange(win, dtype=jnp.float32)
    return 0.5 - 0.5 * jnp.cos(2.0 * jnp.pi * n / win)


def _stft_mag(sig, n_fft, hop):
    # torch.stft(center=True, reflect pad, win_length=n_fft, onesided, return_complex).abs()
    pad = n_fft // 2
    sp = jnp.pad(sig, ((0, 0), (pad, pad)), mode='reflect')
    L = sp.shape[1]
    nf = 1 + (L - n_fft) // hop
    idx = jnp.arange(nf)[:, None] * hop + jnp.arange(n_fft)[None, :]
    frames = sp[:, idx] * _hann(n_fft)[None, None, :]
    return jnp.abs(jnp.fft.rfft(frames, axis=-1))  # (N, frames, bins)


def setup_inputs(seed: int = 0):
    key = jax.random.key(seed)
    ks = jax.random.split(key, 32)
    d_edge_in = 2 * HID + 1 + IN_EDGE
    inp = {
        'h': jax.random.normal(ks[0], (N_NODES, IN_NODE), dtype=jnp.float32),
        'x': jax.random.normal(ks[1], (T, N_NODES, 3), dtype=jnp.float32),
        'edges': jax.random.randint(ks[2], (2, N_EDGES), 0, N_NODES, dtype=jnp.int32),
        'edge_attr': jax.random.normal(ks[3], (N_EDGES, IN_EDGE), dtype=jnp.float32),
        'emb_W': _uni(ks[4], (IN_NODE, HID0), IN_NODE),
        'emb_b': _uni(ks[5], (HID0,), IN_NODE),
        'time_emb': jax.random.normal(ks[6], (T, HID0), dtype=jnp.float32),
        'We1': _uni(ks[7], (N_LAYERS, d_edge_in, HID), d_edge_in),
        'be1': _uni(ks[8], (N_LAYERS, HID), d_edge_in),
        'We2': _uni(ks[9], (N_LAYERS, HID, HID), HID),
        'be2': _uni(ks[10], (N_LAYERS, HID), HID),
        'Wc1': _uni(ks[11], (N_LAYERS, HID, HID), HID),
        'bc1': _uni(ks[12], (N_LAYERS, HID), HID),
        'Wc2': 0.001 * _uni(ks[13], (N_LAYERS, HID, 1), HID),
        'Wn1': _uni(ks[14], (N_LAYERS, 2 * HID, HID), 2 * HID),
        'bn1': _uni(ks[15], (N_LAYERS, HID), 2 * HID),
        'Wn2': _uni(ks[16], (N_LAYERS, HID, HID), HID),
        'bn2': _uni(ks[17], (N_LAYERS, HID), HID),
        'theta': jnp.zeros((NUM_FUTURE, T), dtype=jnp.float32),  # reset_parameters zeros theta
    }
    return inp


def _forward(h, x, edge_attr, emb_W, emb_b, time_emb, We1, be1, We2, be2, Wc1, bc1, Wc2, Wn1, bn1, Wn2, bn2, theta, edges):
    silu = jax.nn.silu
    # h embedding + time embedding
    h0 = jnp.tile(h[None, :, :], (T, 1, 1)) @ emb_W + emb_b  # (T, N, HID0)
    h0 = h0 + time_emb[:, None, :]
    hh = jnp.transpose(h0, (1, 0, 2))  # (N, T, HID0)
    xx = jnp.transpose(x, (1, 0, 2))   # (N, T, 3)
    # multi-scale STFT features appended to node features
    for hop in HOPS:
        n_fft = 2 * hop
        mags = [_stft_mag(xx[:, :, c], n_fft, hop) for c in range(3)]
        s = jnp.sqrt((mags[0] ** 2 + mags[1] ** 2 + mags[2] ** 2) / 3.0)  # (N, frames, bins)
        nseg = T // hop
        s = (s[:, :nseg] + s[:, 1:nseg + 1]) / 2.0
        s = jnp.repeat(s, hop, axis=1)  # repeat_interleave -> (N, T, bins)
        hh = jnp.concatenate([hh, s], axis=2)
    ea = jnp.tile(edge_attr[:, None, :], (1, T, 1))  # (E, T, 3)
    row, col = edges[0], edges[1]
    for i in range(N_LAYERS):
        # E_GCL (canonical EGNN layer: norm_diff=True, clamp=True, recurrent=True)
        src, tgt = hh[row], hh[col]
        diff = xx[row] - xx[col]
        radial = jnp.sum(diff ** 2, axis=-1, keepdims=True)
        diff = diff / (jnp.sqrt(radial) + 1.0)
        m = jnp.concatenate([src, tgt, radial, ea], axis=-1)
        m = silu(m @ We1[i] + be1[i])
        m = silu(m @ We2[i] + be2[i])
        t1 = silu(m @ Wc1[i] + bc1[i])
        trans = jnp.clip(diff * (t1 @ Wc2[i]), -100.0, 100.0)
        agg = jax.ops.segment_sum(trans, row, num_segments=N_NODES)
        cnt = jax.ops.segment_sum(jnp.ones((N_EDGES, 1, 1), jnp.float32), row, num_segments=N_NODES)
        xx = xx + agg / jnp.maximum(cnt, 1.0)  # coords_weight=1.0
        nagg = jax.ops.segment_sum(m, row, num_segments=N_NODES)
        nout = silu(jnp.concatenate([hh, nagg], axis=-1) @ Wn1[i] + bn1[i])
        hh = hh + (nout @ Wn2[i] + bn2[i])  # recurrent
    xT = jnp.transpose(xx, (1, 0, 2))  # (T, N, 3)
    x_last = xT[-1]
    x_hat = jnp.einsum('ij,jkt->ikt', theta, xT - x_last[None])[0] + x_last
    return x_hat


def reference(h, x, edges, edge_attr, emb_W, emb_b, time_emb, We1, be1, We2, be2, Wc1, bc1, Wc2, Wn1, bn1, Wn2, bn2, theta):
    return _forward(h, x, edge_attr, emb_W, emb_b, time_emb, We1, be1, We2, be2, Wc1, bc1, Wc2, Wn1, bn1, Wn2, bn2, theta, edges)

if __name__ == "__main__":
    import jax
    _d = setup_inputs()
    print(jax.jit(kernel)(*tuple(_d.values())))

</pallas_src>

<mosaic_0001>
#map = affine_map<(d0, d1) -> (0, 0)>
#map1 = affine_map<(d0, d1) -> (0, 0, 0)>
module attributes {stable_mosaic.version = 14 : i64} {
  func.func @_sc_gather(%arg0: i32, %arg1: i32, %arg2: memref<5120x48xf32, #tpu.memory_space<hbm>>, %arg3: memref<32x16x128xi32, #tpu.memory_space<hbm>>, %arg4: memref<32x16x128xi32, #tpu.memory_space<hbm>>, %arg5: memref<81920x128xf32, #tpu.memory_space<hbm>>, %arg6: memref<16x128xi32, #tpu.memory_space<vmem>>, %arg7: memref<16x128xi32, #tpu.memory_space<vmem>>, %arg8: memref<2560x48xf32, #tpu.memory_space<vmem>>, %arg9: memref<!tpu.dma_semaphore, #tpu.memory_space<semaphore_mem>>) attributes {dimension_semantics = [#tpu.dimension_semantics<core_parallel>, #tpu.dimension_semantics<subcore_parallel>], iteration_bounds = array<i64: 2, 16>, scalar_prefetch = 0 : i64, scratch_operands = 4 : i64, tpu.core_type = #tpu.core_type<sc_vector_subcore>, window_params = [{transform_indices = #map}, {transform_indices = #map1}, {transform_indices = #map1}, {transform_indices = #map}]} {
    %mul3A = arith.constant 2 : i32
    %mul3A_0 = arith.muli %arg1, %mul3A : i32
    %add3A = arith.addi %mul3A_0, %arg0 : i32
    "tpu.region"() ({
      %run_scoped3A = tpu.sem_alloc : memref<!tpu.dma_semaphore, #tpu.memory_space<semaphore_mem>>
      %dma_start3A_407 = arith.constant 0 : i32
      %dma_start3A_408 = arith.constant 0 : i32
      %dma_start3A_409 = tpu.memref_slice %arg3[%add3A, %dma_start3A_407, %dma_start3A_408] : memref<32x16x128xi32, #tpu.memory_space<hbm>> -> memref<1x16x128xi32, #tpu.memory_space<hbm>>
      %dma_start3A_410 = tpu.memref_squeeze %dma_start3A_409 : memref<1x16x128xi32, #tpu.memory_space<hbm>> -> memref<16x128xi32, #tpu.memory_space<hbm>>
      %dma_start3A_411 = arith.constant 0 : i32
      %dma_start3A_412 = arith.constant 0 : i32
      %dma_start3A_413 = tpu.memref_slice %arg3[%add3A, %dma_start3A_411, %dma_start3A_412] : memref<32x16x128xi32, #tpu.memory_space<hbm>> -> memref<1x16x128xi32, #tpu.memory_space<hbm>>
      %dma_start3A_414 = tpu.memref_squeeze %dma_start3A_413 : memref<1x16x128xi32, #tpu.memory_space<hbm>> -> memref<16x128xi32, #tpu.memory_space<hbm>>
      tpu.enqueue_dma source(%dma_start3A_414 : memref<16x128xi32, #tpu.memory_space<hbm>>) target(%arg6 : memref<16x128xi32, #tpu.memory_space<vmem>>) target_semaphore(%run_scoped3A : memref<!tpu.dma_semaphore, #tpu.memory_space<semaphore_mem>>)
      %dma_wait3A_415 = arith.constant 0 : i32
      %dma_wait3A_416 = arith.constant 0 : i32
      %dma_wait3A_417 = tpu.memref_slice %arg3[%add3A, %dma_wait3A_415, %dma_wait3A_416] : memref<32x16x128xi32, #tpu.memory_space<hbm>> -> memref<1x16x128xi32, #tpu.memory_space<hbm>>
      %dma_wait3A_418 = tpu.memref_squeeze %dma_wait3A_417 : memref<1x16x128xi32, #tpu.memory_space<hbm>> -> memref<16x128xi32, #tpu.memory_space<hbm>>
      %dma_wait3A_419 = arith.constant 0 : i32
      %dma_wait3A_420 = arith.constant 0 : i32
      %dma_wait3A_421 = tpu.memref_slice %arg3[%add3A, %dma_wait3A_419, %dma_wait3A_420] : memref<32x16x128xi32, #tpu.memory_space<hbm>> -> memref<1x16x128xi32, #tpu.memory_space<hbm>>
      %dma_wait3A_422 = tpu.memref_squeeze %dma_wait3A_421 : memref<1x16x128xi32, #tpu.memory_space<hbm>> -> memref<16x128xi32, #tpu.memory_space<hbm>>
      tpu.wait_dma2 semaphore(%run_scoped3A : memref<!tpu.dma_semaphore, #tpu.memory_space<semaphore_mem>>) src(%dma_wait3A_422 : memref<16x128xi32, #tpu.memory_space<hbm>>) dst(%arg6 : memref<16x128xi32, #tpu.memory_space<vmem>>)
      tpu.yield
    }) : () -> ()
    "tpu.region"() ({
      %run_scoped3A = tpu.sem_alloc : memref<!tpu.dma_semaphore, #tpu.memory_space<semaphore_mem>>
      %dma_start3A_407 = arith.constant 0 : i32
      %dma_start3A_408 = arith.constant 0 : i32
      %dma_start3A_409 = tpu.memref_slice %arg4[%add3A, %dma_start3A_407, %dma_start3A_408] : memref<32x16x128xi32, #tpu.memory_space<hbm>> -> memref<1x16x128xi32, #tpu.memory_space<hbm>>
      %dma_start3A_410 = tpu.memref_squeeze %dma_start3A_409 : memref<1x16x128xi32, #tpu.memory_space<hbm>> -> memref<16x128xi32, #tpu.memory_space<hbm>>
      %dma_start3A_411 = arith.constant 0 : i32
      %dma_start3A_412 = arith.constant 0 : i32
      %dma_start3A_413 = tpu.memref_slice %arg4[%add3A, %dma_start3A_411, %dma_start3A_412] : memref<32x16x128xi32, #tpu.memory_space<hbm>> -> memref<1x16x128xi32, #tpu.memory_space<hbm>>
      %dma_start3A_414 = tpu.memref_squeeze %dma_start3A_413 : memref<1x16x128xi32, #tpu.memory_space<hbm>> -> memref<16x128xi32, #tpu.memory_space<hbm>>
      tpu.enqueue_dma source(%dma_start3A_414 : memref<16x128xi32, #tpu.memory_space<hbm>>) target(%arg7 : memref<16x128xi32, #tpu.memory_space<vmem>>) target_semaphore(%run_scoped3A : memref<!tpu.dma_semaphore, #tpu.memory_space<semaphore_mem>>)
      %dma_wait3A_415 = arith.constant 0 : i32
      %dma_wait3A_416 = arith.constant 0 : i32
      %dma_wait3A_417 = tpu.memref_slice %arg4[%add3A, %dma_wait3A_415, %dma_wait3A_416] : memref<32x16x128xi32, #tpu.memory_space<hbm>> -> memref<1x16x128xi32, #tpu.memory_space<hbm>>
      %dma_wait3A_418 = tpu.memref_squeeze %dma_wait3A_417 : memref<1x16x128xi32, #tpu.memory_space<hbm>> -> memref<16x128xi32, #tpu.memory_space<hbm>>
      %dma_wait3A_419 = arith.constant 0 : i32
      %dma_wait3A_420 = arith.constant 0 : i32
      %dma_wait3A_421 = tpu.memref_slice %arg4[%add3A, %dma_wait3A_419, %dma_wait3A_420] : memref<32x16x128xi32, #tpu.memory_space<hbm>> -> memref<1x16x128xi32, #tpu.memory_space<hbm>>
      %dma_wait3A_422 = tpu.memref_squeeze %dma_wait3A_421 : memref<1x16x128xi32, #tpu.memory_space<hbm>> -> memref<16x128xi32, #tpu.memory_space<hbm>>
      tpu.wait_dma2 semaphore(%run_scoped3A : memref<!tpu.dma_semaphore, #tpu.memory_space<semaphore_mem>>) src(%dma_wait3A_422 : memref<16x128xi32, #tpu.memory_space<hbm>>) dst(%arg7 : memref<16x128xi32, #tpu.memory_space<vmem>>)
      tpu.yield
    }) : () -> ()
    %dma_start3A = arith.constant 0 : i32
    %dma_start3A_1 = arith.constant 0 : i32
    %dma_start3A_2 = arith.constant 0 : i32
    %dma_start3A_3 = tpu.memref_slice %arg8[%dma_start3A_1, %dma_start3A_2] : memref<2560x48xf32, #tpu.memory_space<vmem>> -> memref<128x48xf32, #tpu.memory_space<vmem>>
    %dma_start3A_4 = arith.constant 0 : i32
    %dma_start3A_5 = tpu.memref_slice %arg6[%dma_start3A, %dma_start3A_4] : memref<16x128xi32, #tpu.memory_space<vmem>> -> memref<1x128xi32, #tpu.memory_space<vmem>>
    %dma_start3A_6 = tpu.memref_squeeze %dma_start3A_5 : memref<1x128xi32, #tpu.memory_space<vmem>> -> memref<128xi32, #tpu.memory_space<vmem>>
    %dma_start3A_7 = arith.constant 0 : i32
    %dma_start3A_8 = arith.constant 0 : i32
    %dma_start3A_9 = tpu.memref_slice %arg2[%dma_start3A_7, %dma_start3A_8] : memref<5120x48xf32, #tpu.memory_space<hbm>> -> memref<5120x48xf32, #tpu.memory_space<hbm>>
    tpu.enqueue_indirect_dma source(%dma_start3A_9 : memref<5120x48xf32, #tpu.memory_space<hbm>>) target(%dma_start3A_3 : memref<128x48xf32, #tpu.memory_space<vmem>>) offsets(%dma_start3A_6 : memref<128xi32, #tpu.memory_space<vmem>>) semaphore(%arg9 : memref<!tpu.dma_semaphore, #tpu.memory_space<semaphore_mem>>)
    %dma_start3A_10 = arith.constant 1 : i32
    %dma_start3A_11 = arith.constant 128 : i32
    %dma_start3A_12 = arith.constant 0 : i32
    %dma_start3A_13 = tpu.memref_slice %arg8[%dma_start3A_11, %dma_start3A_12] : memref<2560x48xf32, #tpu.memory_space<vmem>> -> memref<128x48xf32, #tpu.memory_space<vmem>>
    %dma_start3A_14 = arith.constant 0 : i32
    %dma_start3A_15 = tpu.memref_slice %arg6[%dma_start3A_10, %dma_start3A_14] : memref<16x128xi32, #tpu.memory_space<vmem>> -> memref<1x128xi32, #tpu.memory_space<vmem>>
    %dma_start3A_16 = tpu.memref_squeeze %dma_start3A_15 : memref<1x128xi32, #tpu.memory_space<vmem>> -> memref<128xi32, #tpu.memory_space<vmem>>
    %dma_start3A_17 = arith.constant 0 : i32
    %dma_start3A_18 = arith.constant 0 : i32
    %dma_start3A_19 = tpu.memref_slice %arg2[%dma_start3A_17, %dma_start3A_18] : memref<5120x48xf32, #tpu.memory_space<hbm>> -> memref<5120x48xf32, #tpu.memory_space<hbm>>
    tpu.enqueue_indirect_dma source(%dma_start3A_19 : memref<5120x48xf32, #tpu.memory_space<hbm>>) target(%dma_start3A_13 : memref<128x48xf32, #tpu.memory_space<vmem>>) offsets(%dma_start3A_16 : memref<128xi32, #tpu.memory_space<vmem>>) semaphore(%arg9 : memref<!tpu.dma_semaphore, #tpu.memory_space<semaphore_mem>>)
    %dma_start3A_20 = arith.constant 2 : i32
    %dma_start3A_21 = arith.constant 256 : i32
    %dma_start3A_22 = arith.constant 0 : i32
    %dma_start3A_23 = tpu.memref_slice %arg8[%dma_start3A_21, %dma_start3A_22] : memref<2560x48xf32, #tpu.memory_space<vmem>> -> memref<128x48xf32, #tpu.memory_space<vmem>>
    %dma_start3A_24 = arith.constant 0 : i32
    %dma_start3A_25 = tpu.memref_slice %arg6[%dma_start3A_20, %dma_start3A_24] : memref<16x128xi32, #tpu.memory_space<vmem>> -> memref<1x128xi32, #tpu.memory_space<vmem>>
    %dma_start3A_26 = tpu.memref_squeeze %dma_start3A_25 : memref<1x128xi32, #tpu.memory_space<vmem>> -> memref<128xi32, #tpu.memory_space<vmem>>
    %dma_start3A_27 = arith.constant 0 : i32
    %dma_start3A_28 = arith.constant 0 : i32
    %dma_start3A_29 = tpu.memref_slice %arg2[%dma_start3A_27, %dma_start3A_28] : memref<5120x48xf32, #tpu.memory_space<hbm>> -> memref<5120x48xf32, #tpu.memory_space<hbm>>
    tpu.enqueue_indirect_dma source(%dma_start3A_29 : memref<5120x48xf32, #tpu.memory_space<hbm>>) target(%dma_start3A_23 : memref<128x48xf32, #tpu.memory_space<vmem>>) offsets(%dma_start3A_26 : memref<128xi32, #tpu.memory_space<vmem>>) semaphore(%arg9 : memref<!tpu.dma_semaphore, #tpu.memory_space<semaphore_mem>>)
    %dma_start3A_30 = arith.constant 3 : i32
    %dma_start3A_31 = arith.constant 384 : i32
    %dma_start3A_32 = arith.constant 0 : i32
    %dma_start3A_33 = tpu.memref_slice %arg8[%dma_start3A_31, %dma_start3A_32] : memref<2560x48xf32, #tpu.memory_space<vmem>> -> memref<128x48xf32, #tpu.memory_space<vmem>>
    %dma_start3A_34 = arith.constant 0 : i32
    %dma_start3A_35 = tpu.memref_slice %arg6[%dma_start3A_30, %dma_start3A_34] : memref<16x128xi32, #tpu.memory_space<vmem>> -> memref<1x128xi32, #tpu.memory_space<vmem>>
    %dma_start3A_36 = tpu.memref_squeeze %dma_start3A_35 : memref<1x128xi32, #tpu.memory_space<vmem>> -> memref<128xi32, #tpu.memory_space<vmem>>
    %dma_start3A_37 = arith.constant 0 : i32
    %dma_start3A_38 = arith.constant 0 : i32
    %dma_start3A_39 = tpu.memref_slice %arg2[%dma_start3A_37, %dma_start3A_38] : memref<5120x48xf32, #tpu.memory_space<hbm>> -> memref<5120x48xf32, #tpu.memory_space<hbm>>
    tpu.enqueue_indirect_dma source(%dma_start3A_39 : memref<5120x48xf32, #tpu.memory_space<hbm>>) target(%dma_start3A_33 : memref<128x48xf32, #tpu.memory_space<vmem>>) offsets(%dma_start3A_36 : memref<128xi32, #tpu.memory_space<vmem>>) semaphore(%arg9 : memref<!tpu.dma_semaphore, #tpu.memory_space<semaphore_mem>>)
    %dma_start3A_40 = arith.constant 4 : i32
    %dma_start3A_41 = arith.constant 512 : i32
    %dma_start3A_42 = arith.constant 0 : i32
    %dma_start3A_43 = tpu.memref_slice %arg8[%dma_start3A_41, %dma_start3A_42] : memref<2560x48xf32, #tpu.memory_space<vmem>> -> memref<128x48xf32, #tpu.memory_space<vmem>>
    %dma_start3A_44 = arith.constant 0 : i32
    %dma_start3A_45 = tpu.memref_slice %arg6[%dma_start3A_40, %dma_start3A_44] : memref<16x128xi32, #tpu.memory_space<vmem>> -> memref<1x128xi32, #tpu.memory_space<vmem>>
    %dma_start3A_46 = tpu.memref_squeeze %dma_start3A_45 : memref<1x128xi32, #tpu.memory_space<vmem>> -> memref<128xi32, #tpu.memory_space<vmem>>
    %dma_start3A_47 = arith.constant 0 : i32
    %dma_start3A_48 = arith.constant 0 : i32
    %dma_start3A_49 = tpu.memref_slice %arg2[%dma_start3A_47, %dma_start3A_48] : memref<5120x48xf32, #tpu.memory_space<hbm>> -> memref<5120x48xf32, #tpu.memory_space<hbm>>
    tpu.enqueue_indirect_dma source(%dma_start3A_49 : memref<5120x48xf32, #tpu.memory_space<hbm>>) target(%dma_start3A_43 : memref<128x48xf32, #tpu.memory_space<vmem>>) offsets(%dma_start3A_46 : memref<128xi32, #tpu.memory_space<vmem>>) semaphore(%arg9 : memref<!tpu.dma_semaphore, #tpu.memory_space<semaphore_mem>>)
    %dma_start3A_50 = arith.constant 5 : i32
    %dma_start3A_51 = arith.constant 640 : i32
    %dma_start3A_52 = arith.constant 0 : i32
    %dma_start3A_53 = tpu.memref_slice %arg8[%dma_start3A_51, %dma_start3A_52] : memref<2560x48xf32, #tpu.memory_space<vmem>> -> memref<128x48xf32, #tpu.memory_space<vmem>>
    %dma_start3A_54 = arith.constant 0 : i32
    %dma_start3A_55 = tpu.memref_slice %arg6[%dma_start3A_50, %dma_start3A_54] : memref<16x128xi32, #tpu.memory_space<vmem>> -> memref<1x128xi32, #tpu.memory_space<vmem>>
    %dma_start3A_56 = tpu.memref_squeeze %dma_start3A_55 : memref<1x128xi32, #tpu.memory_space<vmem>> -> memref<128xi32, #tpu.memory_space<vmem>>
    %dma_start3A_57 = arith.constant 0 : i32
    %dma_start3A_58 = arith.constant 0 : i32
    %dma_start3A_59 = tpu.memref_slice %arg2[%dma_start3A_57, %dma_start3A_58] : memref<5120x48xf32, #tpu.memory_space<hbm>> -> memref<5120x48xf32, #tpu.memory_space<hbm>>
    tpu.enqueue_indirect_dma source(%dma_start3A_59 : memref<5120x48xf32, #tpu.memory_space<hbm>>) target(%dma_start3A_53 : memref<128x48xf32, #tpu.memory_space<vmem>>) offsets(%dma_start3A_56 : memref<128xi32, #tpu.memory_space<vmem>>) semaphore(%arg9 : memref<!tpu.dma_semaphore, #tpu.memory_space<semaphore_mem>>)
    %dma_start3A_60 = arith.constant 6 : i32
    %dma_start3A_61 = arith.constant 768 : i32
    %dma_start3A_62 = arith.constant 0 : i32
    %dma_start3A_63 = tpu.memref_slice %arg8[%dma_start3A_61, %dma_start3A_62] : memref<2560x48xf32, #tpu.memory_space<vmem>> -> memref<128x48xf32, #tpu.memory_space<vmem>>
    %dma_start3A_64 = arith.constant 0 : i32
    %dma_start3A_65 = tpu.memref_slice %arg6[%dma_start3A_60, %dma_start3A_64] : memref<16x128xi32, #tpu.memory_space<vmem>> -> memref<1x128xi32, #tpu.memory_space<vmem>>
    %dma_start3A_66 = tpu.memref_squeeze %dma_start3A_65 : memref<1x128xi32, #tpu.memory_space<vmem>> -> memref<128xi32, #tpu.memory_space<vmem>>
    %dma_start3A_67 = arith.constant 0 : i32
    %dma_start3A_68 = arith.constant 0 : i32
    %dma_start3A_69 = tpu.memref_slice %arg2[%dma_start3A_67, %dma_start3A_68] : memref<5120x48xf32, #tpu.memory_space<hbm>> -> memref<5120x48xf32, #tpu.memory_space<hbm>>
    tpu.enqueue_indirect_dma source(%dma_start3A_69 : memref<5120x48xf32, #tpu.memory_space<hbm>>) target(%dma_start3A_63 : memref<128x48xf32, #tpu.memory_space<vmem>>) offsets(%dma_start3A_66 : memref<128xi32, #tpu.memory_space<vmem>>) semaphore(%arg9 : memref<!tpu.dma_semaphore, #tpu.memory_space<semaphore_mem>>)
    %dma_start3A_70 = arith.constant 7 : i32
    %dma_start3A_71 = arith.constant 896 : i32
    %dma_start3A_72 = arith.constant 0 : i32
    %dma_start3A_73 = tpu.memref_slice %arg8[%dma_start3A_71, %dma_start3A_72] : memref<2560x48xf32, #tpu.memory_space<vmem>> -> memref<128x48xf32, #tpu.memory_space<vmem>>
    %dma_start3A_74 = arith.constant 0 : i32
    %dma_start3A_75 = tpu.memref_slice %arg6[%dma_start3A_70, %dma_start3A_74] : memref<16x128xi32, #tpu.memory_space<vmem>> -> memref<1x128xi32, #tpu.memory_space<vmem>>
    %dma_start3A_76 = tpu.memref_squeeze %dma_start3A_75 : memref<1x128xi32, #tpu.memory_space<vmem>> -> memref<128xi32, #tpu.memory_space<vmem>>
    %dma_start3A_77 = arith.constant 0 : i32
    %dma_start3A_78 = arith.constant 0 : i32
    %dma_start3A_79 = tpu.memref_slice %arg2[%dma_start3A_77, %dma_start3A_78] : memref<5120x48xf32, #tpu.memory_space<hbm>> -> memref<5120x48xf32, #tpu.memory_space<hbm>>
    tpu.enqueue_indirect_dma source(%dma_start3A_79 : memref<5120x48xf32, #tpu.memory_space<hbm>>) target(%dma_start3A_73 : memref<128x48xf32, #tpu.memory_space<vmem>>) offsets(%dma_start3A_76 : memref<128xi32, #tpu.memory_space<vmem>>) semaphore(%arg9 : memref<!tpu.dma_semaphore, #tpu.memory_space<semaphore_mem>>)
    %dma_start3A_80 = arith.constant 8 : i32
    %dma_start3A_81 = arith.constant 1024 : i32
    %dma_start3A_82 = arith.constant 0 : i32
    %dma_start3A_83 = tpu.memref_slice %arg8[%dma_start3A_81, %dma_start3A_82] : memref<2560x48xf32, #tpu.memory_space<vmem>> -> memref<128x48xf32, #tpu.memory_space<vmem>>
    %dma_start3A_84 = arith.constant 0 : i32
    %dma_start3A_85 = tpu.memref_slice %arg6[%dma_start3A_80, %dma_start3A_84] : memref<16x128xi32, #tpu.memory_space<vmem>> -> memref<1x128xi32, #tpu.memory_space<vmem>>
    %dma_start3A_86 = tpu.memref_squeeze %dma_start3A_85 : memref<1x128xi32, #tpu.memory_space<vmem>> -> memref<128xi32, #tpu.memory_space<vmem>>
    %dma_start3A_87 = arith.constant 0 : i32
    %dma_start3A_88 = arith.constant 0 : i32
    %dma_start3A_89 = tpu.memref_slice %arg2[%dma_start3A_87, %dma_start3A_88] : memref<5120x48xf32, #tpu.memory_space<hbm>> -> memref<5120x48xf32, #tpu.memory_space<hbm>>
    tpu.enqueue_indirect_dma source(%dma_start3A_89 : memref<5120x48xf32, #tpu.memory_space<hbm>>) target(%dma_start3A_83 : memref<128x48xf32, #tpu.memory_space<vmem>>) offsets(%dma_start3A_86 : memref<128xi32, #tpu.memory_space<vmem>>) semaphore(%arg9 : memref<!tpu.dma_semaphore, #tpu.memory_space<semaphore_mem>>)
    %dma_start3A_90 = arith.constant 9 : i32
    %dma_start3A_91 = arith.constant 1152 : i32
    %dma_start3A_92 = arith.constant 0 : i32
    %dma_start3A_93 = tpu.memref_slice %arg8[%dma_start3A_91, %dma_start3A_92] : memref<2560x48xf32, #tpu.memory_space<vmem>> -> memref<128x48xf32, #tpu.memory_space<vmem>>
    %dma_start3A_94 = arith.constant 0 : i32
    %dma_start3A_95 = tpu.memref_slice %arg6[%dma_start3A_90, %dma_start3A_94] : memref<16x128xi32, #tpu.memory_space<vmem>> -> memref<1x128xi32, #tpu.memory_space<vmem>>
    %dma_start3A_96 = tpu.memref_squeeze %dma_start3A_95 : memref<1x128xi32, #tpu.memory_space<vmem>> -> memref<128xi32, #tpu.memory_space<vmem>>
    %dma_start3A_97 = arith.constant 0 : i32
    %dma_start3A_98 = arith.constant 0 : i32
    %dma_start3A_99 = tpu.memref_slice %arg2[%dma_start3A_97, %dma_start3A_98] : memref<5120x48xf32, #tpu.memory_space<hbm>> -> memref<5120x48xf32, #tpu.memory_space<hbm>>
    tpu.enqueue_indirect_dma source(%dma_start3A_99 : memref<5120x48xf32, #tpu.memory_space<hbm>>) target(%dma_start3A_93 : memref<128x48xf32, #tpu.memory_space<vmem>>) offsets(%dma_start3A_96 : memref<128xi32, #tpu.memory_space<vmem>>) semaphore(%arg9 : memref<!tpu.dma_semaphore, #tpu.memory_space<semaphore_mem>>)
    %dma_start3A_100 = arith.constant 0 : i32
    %dma_start3A_101 = arith.constant 1280 : i32
    %dma_start3A_102 = arith.constant 0 : i32
    %dma_start3A_103 = tpu.memref_slice %arg8[%dma_start3A_101, %dma_start3A_102] : memref<2560x48xf32, #tpu.memory_space<vmem>> -> memref<128x48xf32, #tpu.memory_space<vmem>>
    %dma_start3A_104 = arith.constant 0 : i32
    %dma_start3A_105 = tpu.memref_slice %arg7[%dma_start3A_100, %dma_start3A_104] : memref<16x128xi32, #tpu.memory_space<vmem>> -> memref<1x128xi32, #tpu.memory_space<vmem>>
    %dma_start3A_106 = tpu.memref_squeeze %dma_start3A_105 : memref<1x128xi32, #tpu.memory_space<vmem>> -> memref<128xi32, #tpu.memory_space<vmem>>
    %dma_start3A_107 = arith.constant 0 : i32
    %dma_start3A_108 = arith.constant 0 : i32
    %dma_start3A_109 = tpu.memref_slice %arg2[%dma_start3A_107, %dma_start3A_108] : memref<5120x48xf32, #tpu.memory_space<hbm>> -> memref<5120x48xf32, #tpu.memory_space<hbm>>
    tpu.enqueue_indirect_dma source(%dma_start3A_109 : memref<5120x48xf32, #tpu.memory_space<hbm>>) target(%dma_start3A_103 : memref<128x48xf32, #tpu.memory_space<vmem>>) offsets(%dma_start3A_106 : memref<128xi32, #tpu.memory_space<vmem>>) semaphore(%arg9 : memref<!tpu.dma_semaphore, #tpu.memory_space<semaphore_mem>>)
    %dma_start3A_110 = arith.constant 1 : i32
    %dma_start3A_111 = arith.constant 1408 : i32
    %dma_start3A_112 = arith.constant 0 : i32
    %dma_start3A_113 = tpu.memref_slice %arg8[%dma_start3A_111, %dma_start3A_112] : memref<2560x48xf32, #tpu.memory_space<vmem>> -> memref<128x48xf32, #tpu.memory_space<vmem>>
    %dma_start3A_114 = arith.constant 0 : i32
    %dma_start3A_115 = tpu.memref_slice %arg7[%dma_start3A_110, %dma_start3A_114] : memref<16x128xi32, #tpu.memory_space<vmem>> -> memref<1x128xi32, #tpu.memory_space<vmem>>
    %dma_start3A_116 = tpu.memref_squeeze %dma_start3A_115 : memref<1x128xi32, #tpu.memory_space<vmem>> -> memref<128xi32, #tpu.memory_space<vmem>>
    %dma_start3A_117 = arith.constant 0 : i32
    %dma_start3A_118 = arith.constant 0 : i32
    %dma_start3A_119 = tpu.memref_slice %arg2[%dma_start3A_117, %dma_start3A_118] : memref<5120x48xf32, #tpu.memory_space<hbm>> -> memref<5120x48xf32, #tpu.memory_space<hbm>>
    tpu.enqueue_indirect_dma source(%dma_start3A_119 : memref<5120x48xf32, #tpu.memory_space<hbm>>) target(%dma_start3A_113 : memref<128x48xf32, #tpu.memory_space<vmem>>) offsets(%dma_start3A_116 : memref<128xi32, #tpu.memory_space<vmem>>) semaphore(%arg9 : memref<!tpu.dma_semaphore, #tpu.memory_space<semaphore_mem>>)
    %dma_start3A_120 = arith.constant 2 : i32
    %dma_start3A_121 = arith.constant 1536 : i32
    %dma_start3A_122 = arith.constant 0 : i32
    %dma_start3A_123 = tpu.memref_slice %arg8[%dma_start3A_121, %dma_start3A_122] : memref<2560x48xf32, #tpu.memory_space<vmem>> -> memref<128x48xf32, #tpu.memory_space<vmem>>
    %dma_start3A_124 = arith.constant 0 : i32
    %dma_start3A_125 = tpu.memref_slice %arg7[%dma_start3A_120, %dma_start3A_124] : memref<16x128xi32, #tpu.memory_space<vmem>> -> memref<1x128xi32, #tpu.memory_space<vmem>>
    %dma_start3A_126 = tpu.memref_squeeze %dma_start3A_125 : memref<1x128xi32, #tpu.memory_space<vmem>> -> memref<128xi32, #tpu.memory_space<vmem>>
    %dma_start3A_127 = arith.constant 0 : i32
    %dma_start3A_128 = arith.constant 0 : i32
    %dma_start3A_129 = tpu.memref_slice %arg2[%dma_start3A_127, %dma_start3A_128] : memref<5120x48xf32, #tpu.memory_space<hbm>> -> memref<5120x48xf32, #tpu.memory_space<hbm>>
    tpu.enqueue_indirect_dma source(%dma_start3A_129 : memref<5120x48xf32, #tpu.memory_space<hbm>>) target(%dma_start3A_123 : memref<128x48xf32, #tpu.memory_space<vmem>>) offsets(%dma_start3A_126 : memref<128xi32, #tpu.memory_space<vmem>>) semaphore(%arg9 : memref<!tpu.dma_semaphore, #tpu.memory_space<semaphore_mem>>)
    %dma_start3A_130 = arith.constant 3 : i32
    %dma_start3A_131 = arith.constant 1664 : i32
    %dma_start3A_132 = arith.constant 0 : i32
    %dma_start3A_133 = tpu.memref_slice %arg8[%dma_start3A_131, %dma_start3A_132] : memref<2560x48xf32, #tpu.memory_space<vmem>> -> memref<128x48xf32, #tpu.memory_space<vmem>>
    %dma_start3A_134 = arith.constant 0 : i32
    %dma_start3A_135 = tpu.memref_slice %arg7[%dma_start3A_130, %dma_start3A_134] : memref<16x128xi32, #tpu.memory_space<vmem>> -> memref<1x128xi32, #tpu.memory_space<vmem>>
    %dma_start3A_136 = tpu.memref_squeeze %dma_start3A_135 : memref<1x128xi32, #tpu.memory_space<vmem>> -> memref<128xi32, #tpu.memory_space<vmem>>
    %dma_start3A_137 = arith.constant 0 : i32
    %dma_start3A_138 = arith.constant 0 : i32
    %dma_start3A_139 = tpu.memref_slice %arg2[%dma_start3A_137, %dma_start3A_138] : memref<5120x48xf32, #tpu.memory_space<hbm>> -> memref<5120x48xf32, #tpu.memory_space<hbm>>
    tpu.enqueue_indirect_dma source(%dma_start3A_139 : memref<5120x48xf32, #tpu.memory_space<hbm>>) target(%dma_start3A_133 : memref<128x48xf32, #tpu.memory_space<vmem>>) offsets(%dma_start3A_136 : memref<128xi32, #tpu.memory_space<vmem>>) semaphore(%arg9 : memref<!tpu.dma_semaphore, #tpu.memory_space<semaphore_mem>>)
    %dma_start3A_140 = arith.constant 4 : i32
    %dma_start3A_141 = arith.constant 1792 : i32
    %dma_start3A_142 = arith.constant 0 : i32
    %dma_start3A_143 = tpu.memref_slice %arg8[%dma_start3A_141, %dma_start3A_142] : memref<2560x48xf32, #tpu.memory_space<vmem>> -> memref<128x48xf32, #tpu.memory_space<vmem>>
    %dma_start3A_144 = arith.constant 0 : i32
    %dma_start3A_145 = tpu.memref_slice %arg7[%dma_start3A_140, %dma_start3A_144] : memref<16x128xi32, #tpu.memory_space<vmem>> -> memref<1x128xi32, #tpu.memory_space<vmem>>
    %dma_start3A_146 = tpu.memref_squeeze %dma_start3A_145 : memref<1x128xi32, #tpu.memory_space<vmem>> -> memref<128xi32, #tpu.memory_space<vmem>>
    %dma_start3A_147 = arith.constant 0 : i32
    %dma_start3A_148 = arith.constant 0 : i32
    %dma_start3A_149 = tpu.memref_slice %arg2[%dma_start3A_147, %dma_start3A_148] : memref<5120x48xf32, #tpu.memory_space<hbm>> -> memref<5120x48xf32, #tpu.memory_space<hbm>>
    tpu.enqueue_indirect_dma source(%dma_start3A_149 : memref<5120x48xf32, #tpu.memory_space<hbm>>) target(%dma_start3A_143 : memref<128x48xf32, #tpu.memory_space<vmem>>) offsets(%dma_start3A_146 : memref<128xi32, #tpu.memory_space<vmem>>) semaphore(%arg9 : memref<!tpu.dma_semaphore, #tpu.memory_space<semaphore_mem>>)
    %dma_start3A_150 = arith.constant 5 : i32
    %dma_start3A_151 = arith.constant 1920 : i32
    %dma_start3A_152 = arith.constant 0 : i32
    %dma_start3A_153 = tpu.memref_slice %arg8[%dma_start3A_151, %dma_start3A_152] : memref<2560x48xf32, #tpu.memory_space<vmem>> -> memref<128x48xf32, #tpu.memory_space<vmem>>
    %dma_start3A_154 = arith.constant 0 : i32
    %dma_start3A_155 = tpu.memref_slice %arg7[%dma_start3A_150, %dma_start3A_154] : memref<16x128xi32, #tpu.memory_space<vmem>> -> memref<1x128xi32, #tpu.memory_space<vmem>>
    %dma_start3A_156 = tpu.memref_squeeze %dma_start3A_155 : memref<1x128xi32, #tpu.memory_space<vmem>> -> memref<128xi32, #tpu.memory_space<vmem>>
    %dma_start3A_157 = arith.constant 0 : i32
    %dma_start3A_158 = arith.constant 0 : i32
    %dma_start3A_159 = tpu.memref_slice %arg2[%dma_start3A_157, %dma_start3A_158] : memref<5120x48xf32, #tpu.memory_space<hbm>> -> memref<5120x48xf32, #tpu.memory_space<hbm>>
    tpu.enqueue_indirect_dma source(%dma_start3A_159 : memref<5120x48xf32, #tpu.memory_space<hbm>>) target(%dma_start3A_153 : memref<128x48xf32, #tpu.memory_space<vmem>>) offsets(%dma_start3A_156 : memref<128xi32, #tpu.memory_space<vmem>>) semaphore(%arg9 : memref<!tpu.dma_semaphore, #tpu.memory_space<semaphore_mem>>)
    %dma_start3A_160 = arith.constant 6 : i32
    %dma_start3A_161 = arith.constant 2048 : i32
    %dma_start3A_162 = arith.constant 0 : i32
    %dma_start3A_163 = tpu.memref_slice %arg8[%dma_start3A_161, %dma_start3A_162] : memref<2560x48xf32, #tpu.memory_space<vmem>> -> memref<128x48xf32, #tpu.memory_space<vmem>>
    %dma_start3A_164 = arith.constant 0 : i32
    %dma_start3A_165 = tpu.memref_slice %arg7[%dma_start3A_160, %dma_start3A_164] : memref<16x128xi32, #tpu.memory_space<vmem>> -> memref<1x128xi32, #tpu.memory_space<vmem>>
    %dma_start3A_166 = tpu.memref_squeeze %dma_start3A_165 : memref<1x128xi32, #tpu.memory_space<vmem>> -> memref<128xi32, #tpu.memory_space<vmem>>
    %dma_start3A_167 = arith.constant 0 : i32
    %dma_start3A_168 = arith.constant 0 : i32
    %dma_start3A_169 = tpu.memref_slice %arg2[%dma_start3A_167, %dma_start3A_168] : memref<5120x48xf32, #tpu.memory_space<hbm>> -> memref<5120x48xf32, #tpu.memory_space<hbm>>
    tpu.enqueue_indirect_dma source(%dma_start3A_169 : memref<5120x48xf32, #tpu.memory_space<hbm>>) target(%dma_start3A_163 : memref<128x48xf32, #tpu.memory_space<vmem>>) offsets(%dma_start3A_166 : memref<128xi32, #tpu.memory_space<vmem>>) semaphore(%arg9 : memref<!tpu.dma_semaphore, #tpu.memory_space<semaphore_mem>>)
    %dma_start3A_170 = arith.constant 7 : i32
    %dma_start3A_171 = arith.constant 2176 : i32
    %dma_start3A_172 = arith.constant 0 : i32
    %dma_start3A_173 = tpu.memref_slice %arg8[%dma_start3A_171, %dma_start3A_172] : memref<2560x48xf32, #tpu.memory_space<vmem>> -> memref<128x48xf32, #tpu.memory_space<vmem>>
    %dma_start3A_174 = arith.constant 0 : i32
    %dma_start3A_175 = tpu.memref_slice %arg7[%dma_start3A_170, %dma_start3A_174] : memref<16x128xi32, #tpu.memory_space<vmem>> -> memref<1x128xi32, #tpu.memory_space<vmem>>
    %dma_start3A_176 = tpu.memref_squeeze %dma_start3A_175 : memref<1x128xi32, #tpu.memory_space<vmem>> -> memref<128xi32, #tpu.memory_space<vmem>>
    %dma_start3A_177 = arith.constant 0 : i32
    %dma_start3A_178 = arith.constant 0 : i32
    %dma_start3A_179 = tpu.memref_slice %arg2[%dma_start3A_177, %dma_start3A_178] : memref<5120x48xf32, #tpu.memory_space<hbm>> -> memref<5120x48xf32, #tpu.memory_space<hbm>>
    tpu.enqueue_indirect_dma source(%dma_start3A_179 : memref<5120x48xf32, #tpu.memory_space<hbm>>) target(%dma_start3A_173 : memref<128x48xf32, #tpu.memory_space<vmem>>) offsets(%dma_start3A_176 : memref<128xi32, #tpu.memory_space<vmem>>) semaphore(%arg9 : memref<!tpu.dma_semaphore, #tpu.memory_space<semaphore_mem>>)
    %dma_start3A_180 = arith.constant 8 : i32
    %dma_start3A_181 = arith.constant 2304 : i32
    %dma_start3A_182 = arith.constant 0 : i32
    %dma_start3A_183 = tpu.memref_slice %arg8[%dma_start3A_181, %dma_start3A_182] : memref<2560x48xf32, #tpu.memory_space<vmem>> -> memref<128x48xf32, #tpu.memory_space<vmem>>
    %dma_start3A_184 = arith.constant 0 : i32
    %dma_start3A_185 = tpu.memref_slice %arg7[%dma_start3A_180, %dma_start3A_184] : memref<16x128xi32, #tpu.memory_space<vmem>> -> memref<1x128xi32, #tpu.memory_space<vmem>>
    %dma_start3A_186 = tpu.memref_squeeze %dma_start3A_185 : memref<1x128xi32, #tpu.memory_space<vmem>> -> memref<128xi32, #tpu.memory_space<vmem>>
    %dma_start3A_187 = arith.constant 0 : i32
    %dma_start3A_188 = arith.constant 0 : i32
    %dma_start3A_189 = tpu.memref_slice %arg2[%dma_start3A_187, %dma_start3A_188] : memref<5120x48xf32, #tpu.memory_space<hbm>> -> memref<5120x48xf32, #tpu.memory_space<hbm>>
    tpu.enqueue_indirect_dma source(%dma_start3A_189 : memref<5120x48xf32, #tpu.memory_space<hbm>>) target(%dma_start3A_183 : memref<128x48xf32, #tpu.memory_space<vmem>>) offsets(%dma_start3A_186 : memref<128xi32, #tpu.memory_space<vmem>>) semaphore(%arg9 : memref<!tpu.dma_semaphore, #tpu.memory_space<semaphore_mem>>)
    %dma_start3A_190 = arith.constant 9 : i32
    %dma_start3A_191 = arith.constant 2432 : i32
    %dma_start3A_192 = arith.constant 0 : i32
    %dma_start3A_193 = tpu.memref_slice %arg8[%dma_start3A_191, %dma_start3A_192] : memref<2560x48xf32, #tpu.memory_space<vmem>> -> memref<128x48xf32, #tpu.memory_space<vmem>>
    %dma_start3A_194 = arith.constant 0 : i32
    %dma_start3A_195 = tpu.memref_slice %arg7[%dma_start3A_190, %dma_start3A_194] : memref<16x128xi32, #tpu.memory_space<vmem>> -> memref<1x128xi32, #tpu.memory_space<vmem>>
    %dma_start3A_196 = tpu.memref_squeeze %dma_start3A_195 : memref<1x128xi32, #tpu.memory_space<vmem>> -> memref<128xi32, #tpu.memory_space<vmem>>
    %dma_start3A_197 = arith.constant 0 : i32
    %dma_start3A_198 = arith.constant 0 : i32
    %dma_start3A_199 = tpu.memref_slice %arg2[%dma_start3A_197, %dma_start3A_198] : memref<5120x48xf32, #tpu.memory_space<hbm>> -> memref<5120x48xf32, #tpu.memory_space<hbm>>
    tpu.enqueue_indirect_dma source(%dma_start3A_199 : memref<5120x48xf32, #tpu.memory_space<hbm>>) target(%dma_start3A_193 : memref<128x48xf32, #tpu.memory_space<vmem>>) offsets(%dma_start3A_196 : memref<128xi32, #tpu.memory_space<vmem>>) semaphore(%arg9 : memref<!tpu.dma_semaphore, #tpu.memory_space<semaphore_mem>>)
    %dma_wait3A = arith.constant 0 : i32
    %dma_wait3A_200 = arith.constant 0 : i32
    %dma_wait3A_201 = arith.constant 0 : i32
    %dma_wait3A_202 = tpu.memref_slice %arg8[%dma_wait3A_200, %dma_wait3A_201] : memref<2560x48xf32, #tpu.memory_space<vmem>> -> memref<128x48xf32, #tpu.memory_space<vmem>>
    %dma_wait3A_203 = arith.constant 0 : i32
    %dma_wait3A_204 = tpu.memref_slice %arg6[%dma_wait3A, %dma_wait3A_203] : memref<16x128xi32, #tpu.memory_space<vmem>> -> memref<1x128xi32, #tpu.memory_space<vmem>>
    %dma_wait3A_205 = tpu.memref_squeeze %dma_wait3A_204 : memref<1x128xi32, #tpu.memory_space<vmem>> -> memref<128xi32, #tpu.memory_space<vmem>>
    %dma_wait3A_206 = arith.constant 0 : i32
    %dma_wait3A_207 = arith.constant 0 : i32
    %dma_wait3A_208 = tpu.memref_slice %arg2[%dma_wait3A_206, %dma_wait3A_207] : memref<5120x48xf32, #tpu.memory_space<hbm>> -> memref<5120x48xf32, #tpu.memory_space<hbm>>
    tpu.wait_indirect_dma semaphore(%arg9 : memref<!tpu.dma_semaphore, #tpu.memory_space<semaphore_mem>>) src(%dma_wait3A_208 : memref<5120x48xf32, #tpu.memory_space<hbm>>) dst(%dma_wait3A_202 : memref<128x48xf32, #tpu.memory_space<vmem>>)
    %dma_wait3A_209 = arith.constant 1 : i32
    %dma_wait3A_210 = arith.constant 128 : i32
    %dma_wait3A_211 = arith.constant 0 : i32
    %dma_wait3A_212 = tpu.memref_slice %arg8[%dma_wait3A_210, %dma_wait3A_211] : memref<2560x48xf32, #tpu.memory_space<vmem>> -> memref<128x48xf32, #tpu.memory_space<vmem>>
    %dma_wait3A_213 = arith.constant 0 : i32
    %dma_wait3A_214 = tpu.memref_slice %arg6[%dma_wait3A_209, %dma_wait3A_213] : memref<16x128xi32, #tpu.memory_space<vmem>> -> memref<1x128xi32, #tpu.memory_space<vmem>>
    %dma_wait3A_215 = tpu.memref_squeeze %dma_wait3A_214 : memref<1x128xi32, #tpu.memory_space<vmem>> -> memref<128xi32, #tpu.memory_space<vmem>>
    %dma_wait3A_216 = arith.constant 0 : i32
    %dma_wait3A_217 = arith.constant 0 : i32
    %dma_wait3A_218 = tpu.memref_slice %arg2[%dma_wait3A_216, %dma_wait3A_217] : memref<5120x48xf32, #tpu.memory_space<hbm>> -> memref<5120x48xf32, #tpu.memory_space<hbm>>
    tpu.wait_indirect_dma semaphore(%arg9 : memref<!tpu.dma_semaphore, #tpu.memory_space<semaphore_mem>>) src(%dma_wait3A_218 : memref<5120x48xf32, #tpu.memory_space<hbm>>) dst(%dma_wait3A_212 : memref<128x48xf32, #tpu.memory_space<vmem>>)
    %dma_wait3A_219 = arith.constant 2 : i32
    %dma_wait3A_220 = arith.constant 256 : i32
    %dma_wait3A_221 = arith.constant 0 : i32
    %dma_wait3A_222 = tpu.memref_slice %arg8[%dma_wait3A_220, %dma_wait3A_221] : memref<2560x48xf32, #tpu.memory_space<vmem>> -> memref<128x48xf32, #tpu.memory_space<vmem>>
    %dma_wait3A_223 = arith.constant 0 : i32
    %dma_wait3A_224 = tpu.memref_slice %arg6[%dma_wait3A_219, %dma_wait3A_223] : memref<16x128xi32, #tpu.memory_space<vmem>> -> memref<1x128xi32, #tpu.memory_space<vmem>>
    %dma_wait3A_225 = tpu.memref_squeeze %dma_wait3A_224 : memref<1x128xi32, #tpu.memory_space<vmem>> -> memref<128xi32, #tpu.memory_space<vmem>>
    %dma_wait3A_226 = arith.constant 0 : i32
    %dma_wait3A_227 = arith.constant 0 : i32
    %dma_wait3A_228 = tpu.memref_slice %arg2[%dma_wait3A_226, %dma_wait3A_227] : memref<5120x48xf32, #tpu.memory_space<hbm>> -> memref<5120x48xf32, #tpu.memory_space<hbm>>
    tpu.wait_indirect_dma semaphore(%arg9 : memref<!tpu.dma_semaphore, #tpu.memory_space<semaphore_mem>>) src(%dma_wait3A_228 : memref<5120x48xf32, #tpu.memory_space<hbm>>) dst(%dma_wait3A_222 : memref<128x48xf32, #tpu.memory_space<vmem>>)
    %dma_wait3A_229 = arith.constant 3 : i32
    %dma_wait3A_230 = arith.constant 384 : i32
    %dma_wait3A_231 = arith.constant 0 : i32
    %dma_wait3A_232 = tpu.memref_slice %arg8[%dma_wait3A_230, %dma_wait3A_231] : memref<2560x48xf32, #tpu.memory_space<vmem>> -> memref<128x48xf32, #tpu.memory_space<vmem>>
    %dma_wait3A_233 = arith.constant 0 : i32
    %dma_wait3A_234 = tpu.memref_slice %arg6[%dma_wait3A_229, %dma_wait3A_233] : memref<16x128xi32, #tpu.memory_space<vmem>> -> memref<1x128xi32, #tpu.memory_space<vmem>>
    %dma_wait3A_235 = tpu.memref_squeeze %dma_wait3A_234 : memref<1x128xi32, #tpu.memory_space<vmem>> -> memref<128xi32, #tpu.memory_space<vmem>>
    %dma_wait3A_236 = arith.constant 0 : i32
    %dma_wait3A_237 = arith.constant 0 : i32
    %dma_wait3A_238 = tpu.memref_slice %arg2[%dma_wait3A_236, %dma_wait3A_237] : memref<5120x48xf32, #tpu.memory_space<hbm>> -> memref<5120x48xf32, #tpu.memory_space<hbm>>
    tpu.wait_indirect_dma semaphore(%arg9 : memref<!tpu.dma_semaphore, #tpu.memory_space<semaphore_mem>>) src(%dma_wait3A_238 : memref<5120x48xf32, #tpu.memory_space<hbm>>) dst(%dma_wait3A_232 : memref<128x48xf32, #tpu.memory_space<vmem>>)
    %dma_wait3A_239 = arith.constant 4 : i32
    %dma_wait3A_240 = arith.constant 512 : i32
    %dma_wait3A_241 = arith.constant 0 : i32
    %dma_wait3A_242 = tpu.memref_slice %arg8[%dma_wait3A_240, %dma_wait3A_241] : memref<2560x48xf32, #tpu.memory_space<vmem>> -> memref<128x48xf32, #tpu.memory_space<vmem>>
    %dma_wait3A_243 = arith.constant 0 : i32
    %dma_wait3A_244 = tpu.memref_slice %arg6[%dma_wait3A_239, %dma_wait3A_243] : memref<16x128xi32, #tpu.memory_space<vmem>> -> memref<1x128xi32, #tpu.memory_space<vmem>>
    %dma_wait3A_245 = tpu.memref_squeeze %dma_wait3A_244 : memref<1x128xi32, #tpu.memory_space<vmem>> -> memref<128xi32, #tpu.memory_space<vmem>>
    %dma_wait3A_246 = arith.constant 0 : i32
    %dma_wait3A_247 = arith.constant 0 : i32
    %dma_wait3A_248 = tpu.memref_slice %arg2[%dma_wait3A_246, %dma_wait3A_247] : memref<5120x48xf32, #tpu.memory_space<hbm>> -> memref<5120x48xf32, #tpu.memory_space<hbm>>
    tpu.wait_indirect_dma semaphore(%arg9 : memref<!tpu.dma_semaphore, #tpu.memory_space<semaphore_mem>>) src(%dma_wait3A_248 : memref<5120x48xf32, #tpu.memory_space<hbm>>) dst(%dma_wait3A_242 : memref<128x48xf32, #tpu.memory_space<vmem>>)
    %dma_wait3A_249 = arith.constant 5 : i32
    %dma_wait3A_250 = arith.constant 640 : i32
    %dma_wait3A_251 = arith.constant 0 : i32
    %dma_wait3A_252 = tpu.memref_slice %arg8[%dma_wait3A_250, %dma_wait3A_251] : memref<2560x48xf32, #tpu.memory_space<vmem>> -> memref<128x48xf32, #tpu.memory_space<vmem>>
    %dma_wait3A_253 = arith.constant 0 : i32
    %dma_wait3A_254 = tpu.memref_slice %arg6[%dma_wait3A_249, %dma_wait3A_253] : memref<16x128xi32, #tpu.memory_space<vmem>> -> memref<1x128xi32, #tpu.memory_space<vmem>>
    %dma_wait3A_255 = tpu.memref_squeeze %dma_wait3A_254 : memref<1x128xi32, #tpu.memory_space<vmem>> -> memref<128xi32, #tpu.memory_space<vmem>>
    %dma_wait3A_256 = arith.constant 0 : i32
    %dma_wait3A_257 = arith.constant 0 : i32
    %dma_wait3A_258 = tpu.memref_slice %arg2[%dma_wait3A_256, %dma_wait3A_257] : memref<5120x48xf32, #tpu.memory_space<hbm>> -> memref<5120x48xf32, #tpu.memory_space<hbm>>
    tpu.wait_indirect_dma semaphore(%arg9 : memref<!tpu.dma_semaphore, #tpu.memory_space<semaphore_mem>>) src(%dma_wait3A_258 : memref<5120x48xf32, #tpu.memory_space<hbm>>) dst(%dma_wait3A_252 : memref<128x48xf32, #tpu.memory_space<vmem>>)
    %dma_wait3A_259 = arith.constant 6 : i32
    %dma_wait3A_260 = arith.constant 768 : i32
    %dma_wait3A_261 = arith.constant 0 : i32
    %dma_wait3A_262 = tpu.memref_slice %arg8[%dma_wait3A_260, %dma_wait3A_261] : memref<2560x48xf32, #tpu.memory_space<vmem>> -> memref<128x48xf32, #tpu.memory_space<vmem>>
    %dma_wait3A_263 = arith.constant 0 : i32
    %dma_wait3A_264 = tpu.memref_slice %arg6[%dma_wait3A_259, %dma_wait3A_263] : memref<16x128xi32, #tpu.memory_space<vmem>> -> memref<1x128xi32, #tpu.memory_space<vmem>>
    %dma_wait3A_265 = tpu.memref_squeeze %dma_wait3A_264 : memref<1x128xi32, #tpu.memory_space<vmem>> -> memref<128xi32, #tpu.memory_space<vmem>>
    %dma_wait3A_266 = arith.constant 0 : i32
    %dma_wait3A_267 = arith.constant 0 : i32
    %dma_wait3A_268 = tpu.memref_slice %arg2[%dma_wait3A_266, %dma_wait3A_267] : memref<5120x48xf32, #tpu.memory_space<hbm>> -> memref<5120x48xf32, #tpu.memory_space<hbm>>
    tpu.wait_indirect_dma semaphore(%arg9 : memref<!tpu.dma_semaphore, #tpu.memory_space<semaphore_mem>>) src(%dma_wait3A_268 : memref<5120x48xf32, #tpu.memory_space<hbm>>) dst(%dma_wait3A_262 : memref<128x48xf32, #tpu.memory_space<vmem>>)
    %dma_wait3A_269 = arith.constant 7 : i32
    %dma_wait3A_270 = arith.constant 896 : i32
    %dma_wait3A_271 = arith.constant 0 : i32
    %dma_wait3A_272 = tpu.memref_slice %arg8[%dma_wait3A_270, %dma_wait3A_271] : memref<2560x48xf32, #tpu.memory_space<vmem>> -> memref<128x48xf32, #tpu.memory_space<vmem>>
    %dma_wait3A_273 = arith.constant 0 : i32
    %dma_wait3A_274 = tpu.memref_slice %arg6[%dma_wait3A_269, %dma_wait3A_273] : memref<16x128xi32, #tpu.memory_space<vmem>> -> memref<1x128xi32, #tpu.memory_space<vmem>>
    %dma_wait3A_275 = tpu.memref_squeeze %dma_wait3A_274 : memref<1x128xi32, #tpu.memory_space<vmem>> -> memref<128xi32, #tpu.memory_space<vmem>>
    %dma_wait3A_276 = arith.constant 0 : i32
    %dma_wait3A_277 = arith.constant 0 : i32
    %dma_wait3A_278 = tpu.memref_slice %arg2[%dma_wait3A_276, %dma_wait3A_277] : memref<5120x48xf32, #tpu.memory_space<hbm>> -> memref<5120x48xf32, #tpu.memory_space<hbm>>
    tpu.wait_indirect_dma semaphore(%arg9 : memref<!tpu.dma_semaphore, #tpu.memory_space<semaphore_mem>>) src(%dma_wait3A_278 : memref<5120x48xf32, #tpu.memory_space<hbm>>) dst(%dma_wait3A_272 : memref<128x48xf32, #tpu.memory_space<vmem>>)
    %dma_wait3A_279 = arith.constant 8 : i32
    %dma_wait3A_280 = arith.constant 1024 : i32
    %dma_wait3A_281 = arith.constant 0 : i32
    %dma_wait3A_282 = tpu.memref_slice %arg8[%dma_wait3A_280, %dma_wait3A_281] : memref<2560x48xf32, #tpu.memory_space<vmem>> -> memref<128x48xf32, #tpu.memory_space<vmem>>
    %dma_wait3A_283 = arith.constant 0 : i32
    %dma_wait3A_284 = tpu.memref_slice %arg6[%dma_wait3A_279, %dma_wait3A_283] : memref<16x128xi32, #tpu.memory_space<vmem>> -> memref<1x128xi32, #tpu.memory_space<vmem>>
    %dma_wait3A_285 = tpu.memref_squeeze %dma_wait3A_284 : memref<1x128xi32, #tpu.memory_space<vmem>> -> memref<128xi32, #tpu.memory_space<vmem>>
    %dma_wait3A_286 = arith.constant 0 : i32
    %dma_wait3A_287 = arith.constant 0 : i32
    %dma_wait3A_288 = tpu.memref_slice %arg2[%dma_wait3A_286, %dma_wait3A_287] : memref<5120x48xf32, #tpu.memory_space<hbm>> -> memref<5120x48xf32, #tpu.memory_space<hbm>>
    tpu.wait_indirect_dma semaphore(%arg9 : memref<!tpu.dma_semaphore, #tpu.memory_space<semaphore_mem>>) src(%dma_wait3A_288 : memref<5120x48xf32, #tpu.memory_space<hbm>>) dst(%dma_wait3A_282 : memref<128x48xf32, #tpu.memory_space<vmem>>)
    %dma_wait3A_289 = arith.constant 9 : i32
    %dma_wait3A_290 = arith.constant 1152 : i32
    %dma_wait3A_291 = arith.constant 0 : i32
    %dma_wait3A_292 = tpu.memref_slice %arg8[%dma_wait3A_290, %dma_wait3A_291] : memref<2560x48xf32, #tpu.memory_space<vmem>> -> memref<128x48xf32, #tpu.memory_space<vmem>>
    %dma_wait3A_293 = arith.constant 0 : i32
    %dma_wait3A_294 = tpu.memref_slice %arg6[%dma_wait3A_289, %dma_wait3A_293] : memref<16x128xi32, #tpu.memory_space<vmem>> -> memref<1x128xi32, #tpu.memory_space<vmem>>
    %dma_wait3A_295 = tpu.memref_squeeze %dma_wait3A_294 : memref<1x128xi32, #tpu.memory_space<vmem>> -> memref<128xi32, #tpu.memory_space<vmem>>
    %dma_wait3A_296 = arith.constant 0 : i32
    %dma_wait3A_297 = arith.constant 0 : i32
    %dma_wait3A_298 = tpu.memref_slice %arg2[%dma_wait3A_296, %dma_wait3A_297] : memref<5120x48xf32, #tpu.memory_space<hbm>> -> memref<5120x48xf32, #tpu.memory_space<hbm>>
    tpu.wait_indirect_dma semaphore(%arg9 : memref<!tpu.dma_semaphore, #tpu.memory_space<semaphore_mem>>) src(%dma_wait3A_298 : memref<5120x48xf32, #tpu.memory_space<hbm>>) dst(%dma_wait3A_292 : memref<128x48xf32, #tpu.memory_space<vmem>>)
    %dma_wait3A_299 = arith.constant 0 : i32
    %dma_wait3A_300 = arith.constant 1280 : i32
    %dma_wait3A_301 = arith.constant 0 : i32
    %dma_wait3A_302 = tpu.memref_slice %arg8[%dma_wait3A_300, %dma_wait3A_301] : memref<2560x48xf32, #tpu.memory_space<vmem>> -> memref<128x48xf32, #tpu.memory_space<vmem>>
    %dma_wait3A_303 = arith.constant 0 : i32
    %dma_wait3A_304 = tpu.memref_slice %arg7[%dma_wait3A_299, %dma_wait3A_303] : memref<16x128xi32, #tpu.memory_space<vmem>> -> memref<1x128xi32, #tpu.memory_space<vmem>>
    %dma_wait3A_305 = tpu.memref_squeeze %dma_wait3A_304 : memref<1x128xi32, #tpu.memory_space<vmem>> -> memref<128xi32, #tpu.memory_space<vmem>>
    %dma_wait3A_306 = arith.constant 0 : i32
    %dma_wait3A_307 = arith.constant 0 : i32
    %dma_wait3A_308 = tpu.memref_slice %arg2[%dma_wait3A_306, %dma_wait3A_307] : memref<5120x48xf32, #tpu.memory_space<hbm>> -> memref<5120x48xf32, #tpu.memory_space<hbm>>
    tpu.wait_indirect_dma semaphore(%arg9 : memref<!tpu.dma_semaphore, #tpu.memory_space<semaphore_mem>>) src(%dma_wait3A_308 : memref<5120x48xf32, #tpu.memory_space<hbm>>) dst(%dma_wait3A_302 : memref<128x48xf32, #tpu.memory_space<vmem>>)
    %dma_wait3A_309 = arith.constant 1 : i32
    %dma_wait3A_310 = arith.constant 1408 : i32
    %dma_wait3A_311 = arith.constant 0 : i32
    %dma_wait3A_312 = tpu.memref_slice %arg8[%dma_wait3A_310, %dma_wait3A_311] : memref<2560x48xf32, #tpu.memory_space<vmem>> -> memref<128x48xf32, #tpu.memory_space<vmem>>
    %dma_wait3A_313 = arith.constant 0 : i32
    %dma_wait3A_314 = tpu.memref_slice %arg7[%dma_wait3A_309, %dma_wait3A_313] : memref<16x128xi32, #tpu.memory_space<vmem>> -> memref<1x128xi32, #tpu.memory_space<vmem>>
    %dma_wait3A_315 = tpu.memref_squeeze %dma_wait3A_314 : memref<1x128xi32, #tpu.memory_space<vmem>> -> memref<128xi32, #tpu.memory_space<vmem>>
    %dma_wait3A_316 = arith.constant 0 : i32
    %dma_wait3A_317 = arith.constant 0 : i32
    %dma_wait3A_318 = tpu.memref_slice %arg2[%dma_wait3A_316, %dma_wait3A_317] : memref<5120x48xf32, #tpu.memory_space<hbm>> -> memref<5120x48xf32, #tpu.memory_space<hbm>>
    tpu.wait_indirect_dma semaphore(%arg9 : memref<!tpu.dma_semaphore, #tpu.memory_space<semaphore_mem>>) src(%dma_wait3A_318 : memref<5120x48xf32, #tpu.memory_space<hbm>>) dst(%dma_wait3A_312 : memref<128x48xf32, #tpu.memory_space<vmem>>)
    %dma_wait3A_319 = arith.constant 2 : i32
    %dma_wait3A_320 = arith.constant 1536 : i32
    %dma_wait3A_321 = arith.constant 0 : i32
    %dma_wait3A_322 = tpu.memref_slice %arg8[%dma_wait3A_320, %dma_wait3A_321] : memref<2560x48xf32, #tpu.memory_space<vmem>> -> memref<128x48xf32, #tpu.memory_space<vmem>>
    %dma_wait3A_323 = arith.constant 0 : i32
    %dma_wait3A_324 = tpu.memref_slice %arg7[%dma_wait3A_319, %dma_wait3A_323] : memref<16x128xi32, #tpu.memory_space<vmem>> -> memref<1x128xi32, #tpu.memory_space<vmem>>
    %dma_wait3A_325 = tpu.memref_squeeze %dma_wait3A_324 : memref<1x128xi32, #tpu.memory_space<vmem>> -> memref<128xi32, #tpu.memory_space<vmem>>
    %dma_wait3A_326 = arith.constant 0 : i32
    %dma_wait3A_327 = arith.constant 0 : i32
    %dma_wait3A_328 = tpu.memref_slice %arg2[%dma_wait3A_326, %dma_wait3A_327] : memref<5120x48xf32, #tpu.memory_space<hbm>> -> memref<5120x48xf32, #tpu.memory_space<hbm>>
    tpu.wait_indirect_dma semaphore(%arg9 : memref<!tpu.dma_semaphore, #tpu.memory_space<semaphore_mem>>) src(%dma_wait3A_328 : memref<5120x48xf32, #tpu.memory_space<hbm>>) dst(%dma_wait3A_322 : memref<128x48xf32, #tpu.memory_space<vmem>>)
    %dma_wait3A_329 = arith.constant 3 : i32
    %dma_wait3A_330 = arith.constant 1664 : i32
    %dma_wait3A_331 = arith.constant 0 : i32
    %dma_wait3A_332 = tpu.memref_slice %arg8[%dma_wait3A_330, %dma_wait3A_331] : memref<2560x48xf32, #tpu.memory_space<vmem>> -> memref<128x48xf32, #tpu.memory_space<vmem>>
    %dma_wait3A_333 = arith.constant 0 : i32
    %dma_wait3A_334 = tpu.memref_slice %arg7[%dma_wait3A_329, %dma_wait3A_333] : memref<16x128xi32, #tpu.memory_space<vmem>> -> memref<1x128xi32, #tpu.memory_space<vmem>>
    %dma_wait3A_335 = tpu.memref_squeeze %dma_wait3A_334 : memref<1x128xi32, #tpu.memory_space<vmem>> -> memref<128xi32, #tpu.memory_space<vmem>>
    %dma_wait3A_336 = arith.constant 0 : i32
    %dma_wait3A_337 = arith.constant 0 : i32
    %dma_wait3A_338 = tpu.memref_slice %arg2[%dma_wait3A_336, %dma_wait3A_337] : memref<5120x48xf32, #tpu.memory_space<hbm>> -> memref<5120x48xf32, #tpu.memory_space<hbm>>
    tpu.wait_indirect_dma semaphore(%arg9 : memref<!tpu.dma_semaphore, #tpu.memory_space<semaphore_mem>>) src(%dma_wait3A_338 : memref<5120x48xf32, #tpu.memory_space<hbm>>) dst(%dma_wait3A_332 : memref<128x48xf32, #tpu.memory_space<vmem>>)
    %dma_wait3A_339 = arith.constant 4 : i32
    %dma_wait3A_340 = arith.constant 1792 : i32
    %dma_wait3A_341 = arith.constant 0 : i32
    %dma_wait3A_342 = tpu.memref_slice %arg8[%dma_wait3A_340, %dma_wait3A_341] : memref<2560x48xf32, #tpu.memory_space<vmem>> -> memref<128x48xf32, #tpu.memory_space<vmem>>
    %dma_wait3A_343 = arith.constant 0 : i32
    %dma_wait3A_344 = tpu.memref_slice %arg7[%dma_wait3A_339, %dma_wait3A_343] : memref<16x128xi32, #tpu.memory_space<vmem>> -> memref<1x128xi32, #tpu.memory_space<vmem>>
    %dma_wait3A_345 = tpu.memref_squeeze %dma_wait3A_344 : memref<1x128xi32, #tpu.memory_space<vmem>> -> memref<128xi32, #tpu.memory_space<vmem>>
    %dma_wait3A_346 = arith.constant 0 : i32
    %dma_wait3A_347 = arith.constant 0 : i32
    %dma_wait3A_348 = tpu.memref_slice %arg2[%dma_wait3A_346, %dma_wait3A_347] : memref<5120x48xf32, #tpu.memory_space<hbm>> -> memref<5120x48xf32, #tpu.memory_space<hbm>>
    tpu.wait_indirect_dma semaphore(%arg9 : memref<!tpu.dma_semaphore, #tpu.memory_space<semaphore_mem>>) src(%dma_wait3A_348 : memref<5120x48xf32, #tpu.memory_space<hbm>>) dst(%dma_wait3A_342 : memref<128x48xf32, #tpu.memory_space<vmem>>)
    %dma_wait3A_349 = arith.constant 5 : i32
    %dma_wait3A_350 = arith.constant 1920 : i32
    %dma_wait3A_351 = arith.constant 0 : i32
    %dma_wait3A_352 = tpu.memref_slice %arg8[%dma_wait3A_350, %dma_wait3A_351] : memref<2560x48xf32, #tpu.memory_space<vmem>> -> memref<128x48xf32, #tpu.memory_space<vmem>>
    %dma_wait3A_353 = arith.constant 0 : i32
    %dma_wait3A_354 = tpu.memref_slice %arg7[%dma_wait3A_349, %dma_wait3A_353] : memref<16x128xi32, #tpu.memory_space<vmem>> -> memref<1x128xi32, #tpu.memory_space<vmem>>
    %dma_wait3A_355 = tpu.memref_squeeze %dma_wait3A_354 : memref<1x128xi32, #tpu.memory_space<vmem>> -> memref<128xi32, #tpu.memory_space<vmem>>
    %dma_wait3A_356 = arith.constant 0 : i32
    %dma_wait3A_357 = arith.constant 0 : i32
    %dma_wait3A_358 = tpu.memref_slice %arg2[%dma_wait3A_356, %dma_wait3A_357] : memref<5120x48xf32, #tpu.memory_space<hbm>> -> memref<5120x48xf32, #tpu.memory_space<hbm>>
    tpu.wait_indirect_dma semaphore(%arg9 : memref<!tpu.dma_semaphore, #tpu.memory_space<semaphore_mem>>) src(%dma_wait3A_358 : memref<5120x48xf32, #tpu.memory_space<hbm>>) dst(%dma_wait3A_352 : memref<128x48xf32, #tpu.memory_space<vmem>>)
    %dma_wait3A_359 = arith.constant 6 : i32
    %dma_wait3A_360 = arith.constant 2048 : i32
    %dma_wait3A_361 = arith.constant 0 : i32
    %dma_wait3A_362 = tpu.memref_slice %arg8[%dma_wait3A_360, %dma_wait3A_361] : memref<2560x48xf32, #tpu.memory_space<vmem>> -> memref<128x48xf32, #tpu.memory_space<vmem>>
    %dma_wait3A_363 = arith.constant 0 : i32
    %dma_wait3A_364 = tpu.memref_slice %arg7[%dma_wait3A_359, %dma_wait3A_363] : memref<16x128xi32, #tpu.memory_space<vmem>> -> memref<1x128xi32, #tpu.memory_space<vmem>>
    %dma_wait3A_365 = tpu.memref_squeeze %dma_wait3A_364 : memref<1x128xi32, #tpu.memory_space<vmem>> -> memref<128xi32, #tpu.memory_space<vmem>>
    %dma_wait3A_366 = arith.constant 0 : i32
    %dma_wait3A_367 = arith.constant 0 : i32
    %dma_wait3A_368 = tpu.memref_slice %arg2[%dma_wait3A_366, %dma_wait3A_367] : memref<5120x48xf32, #tpu.memory_space<hbm>> -> memref<5120x48xf32, #tpu.memory_space<hbm>>
    tpu.wait_indirect_dma semaphore(%arg9 : memref<!tpu.dma_semaphore, #tpu.memory_space<semaphore_mem>>) src(%dma_wait3A_368 : memref<5120x48xf32, #tpu.memory_space<hbm>>) dst(%dma_wait3A_362 : memref<128x48xf32, #tpu.memory_space<vmem>>)
    %dma_wait3A_369 = arith.constant 7 : i32
    %dma_wait3A_370 = arith.constant 2176 : i32
    %dma_wait3A_371 = arith.constant 0 : i32
    %dma_wait3A_372 = tpu.memref_slice %arg8[%dma_wait3A_370, %dma_wait3A_371] : memref<2560x48xf32, #tpu.memory_space<vmem>> -> memref<128x48xf32, #tpu.memory_space<vmem>>
    %dma_wait3A_373 = arith.constant 0 : i32
    %dma_wait3A_374 = tpu.memref_slice %arg7[%dma_wait3A_369, %dma_wait3A_373] : memref<16x128xi32, #tpu.memory_space<vmem>> -> memref<1x128xi32, #tpu.memory_space<vmem>>
    %dma_wait3A_375 = tpu.memref_squeeze %dma_wait3A_374 : memref<1x128xi32, #tpu.memory_space<vmem>> -> memref<128xi32, #tpu.memory_space<vmem>>
    %dma_wait3A_376 = arith.constant 0 : i32
    %dma_wait3A_377 = arith.constant 0 : i32
    %dma_wait3A_378 = tpu.memref_slice %arg2[%dma_wait3A_376, %dma_wait3A_377] : memref<5120x48xf32, #tpu.memory_space<hbm>> -> memref<5120x48xf32, #tpu.memory_space<hbm>>
    tpu.wait_indirect_dma semaphore(%arg9 : memref<!tpu.dma_semaphore, #tpu.memory_space<semaphore_mem>>) src(%dma_wait3A_378 : memref<5120x48xf32, #tpu.memory_space<hbm>>) dst(%dma_wait3A_372 : memref<128x48xf32, #tpu.memory_space<vmem>>)
    %dma_wait3A_379 = arith.constant 8 : i32
    %dma_wait3A_380 = arith.constant 2304 : i32
    %dma_wait3A_381 = arith.constant 0 : i32
    %dma_wait3A_382 = tpu.memref_slice %arg8[%dma_wait3A_380, %dma_wait3A_381] : memref<2560x48xf32, #tpu.memory_space<vmem>> -> memref<128x48xf32, #tpu.memory_space<vmem>>
    %dma_wait3A_383 = arith.constant 0 : i32
    %dma_wait3A_384 = tpu.memref_slice %arg7[%dma_wait3A_379, %dma_wait3A_383] : memref<16x128xi32, #tpu.memory_space<vmem>> -> memref<1x128xi32, #tpu.memory_space<vmem>>
    %dma_wait3A_385 = tpu.memref_squeeze %dma_wait3A_384 : memref<1x128xi32, #tpu.memory_space<vmem>> -> memref<128xi32, #tpu.memory_space<vmem>>
    %dma_wait3A_386 = arith.constant 0 : i32
    %dma_wait3A_387 = arith.constant 0 : i32
    %dma_wait3A_388 = tpu.memref_slice %arg2[%dma_wait3A_386, %dma_wait3A_387] : memref<5120x48xf32, #tpu.memory_space<hbm>> -> memref<5120x48xf32, #tpu.memory_space<hbm>>
    tpu.wait_indirect_dma semaphore(%arg9 : memref<!tpu.dma_semaphore, #tpu.memory_space<semaphore_mem>>) src(%dma_wait3A_388 : memref<5120x48xf32, #tpu.memory_space<hbm>>) dst(%dma_wait3A_382 : memref<128x48xf32, #tpu.memory_space<vmem>>)
    %dma_wait3A_389 = arith.constant 9 : i32
    %dma_wait3A_390 = arith.constant 2432 : i32
    %dma_wait3A_391 = arith.constant 0 : i32
    %dma_wait3A_392 = tpu.memref_slice %arg8[%dma_wait3A_390, %dma_wait3A_391] : memref<2560x48xf32, #tpu.memory_space<vmem>> -> memref<128x48xf32, #tpu.memory_space<vmem>>
    %dma_wait3A_393 = arith.constant 0 : i32
    %dma_wait3A_394 = tpu.memref_slice %arg7[%dma_wait3A_389, %dma_wait3A_393] : memref<16x128xi32, #tpu.memory_space<vmem>> -> memref<1x128xi32, #tpu.memory_space<vmem>>
    %dma_wait3A_395 = tpu.memref_squeeze %dma_wait3A_394 : memref<1x128xi32, #tpu.memory_space<vmem>> -> memref<128xi32, #tpu.memory_space<vmem>>
    %dma_wait3A_396 = arith.constant 0 : i32
    %dma_wait3A_397 = arith.constant 0 : i32
    %dma_wait3A_398 = tpu.memref_slice %arg2[%dma_wait3A_396, %dma_wait3A_397] : memref<5120x48xf32, #tpu.memory_space<hbm>> -> memref<5120x48xf32, #tpu.memory_space<hbm>>
    tpu.wait_indirect_dma semaphore(%arg9 : memref<!tpu.dma_semaphore, #tpu.memory_space<semaphore_mem>>) src(%dma_wait3A_398 : memref<5120x48xf32, #tpu.memory_space<hbm>>) dst(%dma_wait3A_392 : memref<128x48xf32, #tpu.memory_space<vmem>>)
    %mul3A_399 = arith.constant 1280 : i32
    %mul3A_400 = arith.muli %add3A, %mul3A_399 : i32
    %add3A_401 = arith.constant 0 : i32
    %add3A_402 = arith.addi %add3A_401, %mul3A_400 : i32
    "tpu.region"() ({
      %run_scoped3A = tpu.sem_alloc : memref<!tpu.dma_semaphore, #tpu.memory_space<semaphore_mem>>
      %dma_start3A_407 = arith.constant 0 : i32
      %dma_start3A_408 = arith.constant 0 : i32
      %dma_start3A_409 = tpu.memref_slice %arg8[%dma_start3A_407, %dma_start3A_408] : memref<2560x48xf32, #tpu.memory_space<vmem>> -> memref<1280x48xf32, #tpu.memory_space<vmem>>
      %dma_start3A_410 = arith.constant 0 : i32
      %dma_start3A_411 = tpu.memref_slice %arg5[%add3A_402, %dma_start3A_410] : memref<81920x128xf32, #tpu.memory_space<hbm>> -> memref<1280x48xf32, #tpu.memory_space<hbm>>
      %dma_start3A_412 = arith.constant 0 : i32
      %dma_start3A_413 = tpu.memref_slice %arg5[%add3A_402, %dma_start3A_412] : memref<81920x128xf32, #tpu.memory_space<hbm>> -> memref<1280x48xf32, #tpu.memory_space<hbm>>
      %dma_start3A_414 = arith.constant 0 : i32
      %dma_start3A_415 = arith.constant 0 : i32
      %dma_start3A_416 = tpu.memref_slice %arg8[%dma_start3A_414, %dma_start3A_415] : memref<2560x48xf32, #tpu.memory_space<vmem>> -> memref<1280x48xf32, #tpu.memory_space<vmem>>
      tpu.enqueue_dma source(%dma_start3A_416 : memref<1280x48xf32, #tpu.memory_space<vmem>>) target(%dma_start3A_413 : memref<1280x48xf32, #tpu.memory_space<hbm>>) target_semaphore(%run_scoped3A : memref<!tpu.dma_semaphore, #tpu.memory_space<semaphore_mem>>)
      %dma_wait3A_417 = arith.constant 0 : i32
      %dma_wait3A_418 = arith.constant 0 : i32
      %dma_wait3A_419 = tpu.memref_slice %arg8[%dma_wait3A_417, %dma_wait3A_418] : memref<2560x48xf32, #tpu.memory_space<vmem>> -> memref<1280x48xf32, #tpu.memory_space<vmem>>
      %dma_wait3A_420 = arith.constant 0 : i32
      %dma_wait3A_421 = tpu.memref_slice %arg5[%add3A_402, %dma_wait3A_420] : memref<81920x128xf32, #tpu.memory_space<hbm>> -> memref<1280x48xf32, #tpu.memory_space<hbm>>
      %dma_wait3A_422 = arith.constant 0 : i32
      %dma_wait3A_423 = tpu.memref_slice %arg5[%add3A_402, %dma_wait3A_422] : memref<81920x128xf32, #tpu.memory_space<hbm>> -> memref<1280x48xf32, #tpu.memory_space<hbm>>
      %dma_wait3A_424 = arith.constant 0 : i32
      %dma_wait3A_425 = arith.constant 0 : i32
      %dma_wait3A_426 = tpu.memref_slice %arg8[%dma_wait3A_424, %dma_wait3A_425] : memref<2560x48xf32, #tpu.memory_space<vmem>> -> memref<1280x48xf32, #tpu.memory_space<vmem>>
      tpu.wait_dma2 semaphore(%run_scoped3A : memref<!tpu.dma_semaphore, #tpu.memory_space<semaphore_mem>>) src(%dma_wait3A_426 : memref<1280x48xf32, #tpu.memory_space<vmem>>) dst(%dma_wait3A_423 : memref<1280x48xf32, #tpu.memory_space<hbm>>)
      tpu.yield
    }) : () -> ()
    %mul3A_403 = arith.constant 1280 : i32
    %mul3A_404 = arith.muli %add3A, %mul3A_403 : i32
    %add3A_405 = arith.constant 40960 : i32
    %add3A_406 = arith.addi %add3A_405, %mul3A_404 : i32
    "tpu.region"() ({
      %run_scoped3A = tpu.sem_alloc : memref<!tpu.dma_semaphore, #tpu.memory_space<semaphore_mem>>
      %dma_start3A_407 = arith.constant 1280 : i32
      %dma_start3A_408 = arith.constant 0 : i32
      %dma_start3A_409 = tpu.memref_slice %arg8[%dma_start3A_407, %dma_start3A_408] : memref<2560x48xf32, #tpu.memory_space<vmem>> -> memref<1280x48xf32, #tpu.memory_space<vmem>>
      %dma_start3A_410 = arith.constant 0 : i32
      %dma_start3A_411 = tpu.memref_slice %arg5[%add3A_406, %dma_start3A_410] : memref<81920x128xf32, #tpu.memory_space<hbm>> -> memref<1280x48xf32, #tpu.memory_space<hbm>>
      %dma_start3A_412 = arith.constant 0 : i32
      %dma_start3A_413 = tpu.memref_slice %arg5[%add3A_406, %dma_start3A_412] : memref<81920x128xf32, #tpu.memory_space<hbm>> -> memref<1280x48xf32, #tpu.memory_space<hbm>>
      %dma_start3A_414 = arith.constant 1280 : i32
      %dma_start3A_415 = arith.constant 0 : i32
      %dma_start3A_416 = tpu.memref_slice %arg8[%dma_start3A_414, %dma_start3A_415] : memref<2560x48xf32, #tpu.memory_space<vmem>> -> memref<1280x48xf32, #tpu.memory_space<vmem>>
      tpu.enqueue_dma source(%dma_start3A_416 : memref<1280x48xf32, #tpu.memory_space<vmem>>) target(%dma_start3A_413 : memref<1280x48xf32, #tpu.memory_space<hbm>>) target_semaphore(%run_scoped3A : memref<!tpu.dma_semaphore, #tpu.memory_space<semaphore_mem>>)
      %dma_wait3A_417 = arith.constant 1280 : i32
      %dma_wait3A_418 = arith.constant 0 : i32
      %dma_wait3A_419 = tpu.memref_slice %arg8[%dma_wait3A_417, %dma_wait3A_418] : memref<2560x48xf32, #tpu.memory_space<vmem>> -> memref<1280x48xf32, #tpu.memory_space<vmem>>
      %dma_wait3A_420 = arith.constant 0 : i32
      %dma_wait3A_421 = tpu.memref_slice %arg5[%add3A_406, %dma_wait3A_420] : memref<81920x128xf32, #tpu.memory_space<hbm>> -> memref<1280x48xf32, #tpu.memory_space<hbm>>
      %dma_wait3A_422 = arith.constant 0 : i32
      %dma_wait3A_423 = tpu.memref_slice %arg5[%add3A_406, %dma_wait3A_422] : memref<81920x128xf32, #tpu.memory_space<hbm>> -> memref<1280x48xf32, #tpu.memory_space<hbm>>
      %dma_wait3A_424 = arith.constant 1280 : i32
      %dma_wait3A_425 = arith.constant 0 : i32
      %dma_wait3A_426 = tpu.memref_slice %arg8[%dma_wait3A_424, %dma_wait3A_425] : memref<2560x48xf32, #tpu.memory_space<vmem>> -> memref<1280x48xf32, #tpu.memory_space<vmem>>
      tpu.wait_dma2 semaphore(%run_scoped3A : memref<!tpu.dma_semaphore, #tpu.memory_space<semaphore_mem>>) src(%dma_wait3A_426 : memref<1280x48xf32, #tpu.memory_space<vmem>>) dst(%dma_wait3A_423 : memref<1280x48xf32, #tpu.memory_space<hbm>>)
      tpu.yield
    }) : () -> ()
    return
  }
}

#map = affine_map<(d0, d1) -> (0, 0)>
#map1 = affine_map<(d0, d1) -> (0, 0, 0)>
module attributes {stable_mosaic.version = 14 : i64} {
  func.func @_sc_scatter(%arg0: i32, %arg1: i32, %arg2: memref<40960x128xf32, #tpu.memory_space<hbm>>, %arg3: memref<32x16x128xi32, #tpu.memory_space<hbm>>, %arg4: memref<5120x16xf32, #tpu.memory_space<hbm>>, %arg5: memref<2x5120x128xf32, #tpu.memory_space<hbm>>, %arg6: memref<16x128xi32, #tpu.memory_space<vmem>>, %arg7: memref<1280x16xf32, #tpu.memory_space<vmem>>, %arg8: memref<5120x16xf32, #tpu.memory_space<vmem_shared>>) attributes {dimension_semantics = [#tpu.dimension_semantics<core_parallel>, #tpu.dimension_semantics<subcore_parallel>], iteration_bounds = array<i64: 2, 16>, scalar_prefetch = 0 : i64, scratch_operands = 3 : i64, tpu.core_type = #tpu.core_type<sc_vector_subcore>, window_params = [{transform_indices = #map}, {transform_indices = #map1}, {transform_indices = #map}, {transform_indices = #map1}]} {
    %mul3A = arith.constant 2 : i32
    %mul3A_0 = arith.muli %arg1, %mul3A : i32
    %add3A = arith.addi %mul3A_0, %arg0 : i32
    %eq3A = arith.constant 0 : i32
    %eq3A_1 = arith.cmpi eq, %arg1, %eq3A : i32
    %convert_element_type3A = arith.extui %eq3A_1 : i1 to i32
    %cond3A = arith.constant 0 : i32
    %cond3A_2 = arith.cmpi ne, %convert_element_type3A, %cond3A : i32
    scf.if %cond3A_2 {
      "tpu.region"() ({
        %run_scoped3A_20 = tpu.sem_alloc : memref<!tpu.dma_semaphore, #tpu.memory_space<semaphore_mem>>
        tpu.enqueue_dma source(%arg4 : memref<5120x16xf32, #tpu.memory_space<hbm>>) target(%arg8 : memref<5120x16xf32, #tpu.memory_space<vmem_shared>>) target_semaphore(%run_scoped3A_20 : memref<!tpu.dma_semaphore, #tpu.memory_space<semaphore_mem>>)
        tpu.wait_dma2 semaphore(%run_scoped3A_20 : memref<!tpu.dma_semaphore, #tpu.memory_space<semaphore_mem>>) src(%arg4 : memref<5120x16xf32, #tpu.memory_space<hbm>>) dst(%arg8 : memref<5120x16xf32, #tpu.memory_space<vmem_shared>>)
        tpu.yield
      }) : () -> ()
    } else {
    }
    %barrier3A = arith.constant 0 : index
    tpu.barrier barrier_id(%barrier3A)
    "tpu.region"() ({
      %run_scoped3A_20 = tpu.sem_alloc : memref<!tpu.dma_semaphore, #tpu.memory_space<semaphore_mem>>
      %dma_start3A = arith.constant 0 : i32
      %dma_start3A_21 = arith.constant 0 : i32
      %dma_start3A_22 = tpu.memref_slice %arg3[%add3A, %dma_start3A, %dma_start3A_21] : memref<32x16x128xi32, #tpu.memory_space<hbm>> -> memref<1x16x128xi32, #tpu.memory_space<hbm>>
      %dma_start3A_23 = tpu.memref_squeeze %dma_start3A_22 : memref<1x16x128xi32, #tpu.memory_space<hbm>> -> memref<16x128xi32, #tpu.memory_space<hbm>>
      %dma_start3A_24 = arith.constant 0 : i32
      %dma_start3A_25 = arith.constant 0 : i32
      %dma_start3A_26 = tpu.memref_slice %arg3[%add3A, %dma_start3A_24, %dma_start3A_25] : memref<32x16x128xi32, #tpu.memory_space<hbm>> -> memref<1x16x128xi32, #tpu.memory_space<hbm>>
      %dma_start3A_27 = tpu.memref_squeeze %dma_start3A_26 : memref<1x16x128xi32, #tpu.memory_space<hbm>> -> memref<16x128xi32, #tpu.memory_space<hbm>>
      tpu.enqueue_dma source(%dma_start3A_27 : memref<16x128xi32, #tpu.memory_space<hbm>>) target(%arg6 : memref<16x128xi32, #tpu.memory_space<vmem>>) target_semaphore(%run_scoped3A_20 : memref<!tpu.dma_semaphore, #tpu.memory_space<semaphore_mem>>)
      %dma_wait3A = arith.constant 0 : i32
      %dma_wait3A_28 = arith.constant 0 : i32
      %dma_wait3A_29 = tpu.memref_slice %arg3[%add3A, %dma_wait3A, %dma_wait3A_28] : memref<32x16x128xi32, #tpu.memory_space<hbm>> -> memref<1x16x128xi32, #tpu.memory_space<hbm>>
      %dma_wait3A_30 = tpu.memref_squeeze %dma_wait3A_29 : memref<1x16x128xi32, #tpu.memory_space<hbm>> -> memref<16x128xi32, #tpu.memory_space<hbm>>
      %dma_wait3A_31 = arith.constant 0 : i32
      %dma_wait3A_32 = arith.constant 0 : i32
      %dma_wait3A_33 = tpu.memref_slice %arg3[%add3A, %dma_wait3A_31, %dma_wait3A_32] : memref<32x16x128xi32, #tpu.memory_space<hbm>> -> memref<1x16x128xi32, #tpu.memory_space<hbm>>
      %dma_wait3A_34 = tpu.memref_squeeze %dma_wait3A_33 : memref<1x16x128xi32, #tpu.memory_space<hbm>> -> memref<16x128xi32, #tpu.memory_space<hbm>>
      tpu.wait_dma2 semaphore(%run_scoped3A_20 : memref<!tpu.dma_semaphore, #tpu.memory_space<semaphore_mem>>) src(%dma_wait3A_34 : memref<16x128xi32, #tpu.memory_space<hbm>>) dst(%arg6 : memref<16x128xi32, #tpu.memory_space<vmem>>)
      tpu.yield
    }) : () -> ()
    %mul3A_3 = arith.constant 1280 : i32
    %mul3A_4 = arith.muli %add3A, %mul3A_3 : i32
    "tpu.region"() ({
      %run_scoped3A_20 = tpu.sem_alloc : memref<!tpu.dma_semaphore, #tpu.memory_space<semaphore_mem>>
      %dma_start3A = arith.constant 0 : i32
      %dma_start3A_21 = tpu.memref_slice %arg2[%mul3A_4, %dma_start3A] : memref<40960x128xf32, #tpu.memory_space<hbm>> -> memref<1280x16xf32, #tpu.memory_space<hbm>>
      %dma_start3A_22 = arith.constant 0 : i32
      %dma_start3A_23 = tpu.memref_slice %arg2[%mul3A_4, %dma_start3A_22] : memref<40960x128xf32, #tpu.memory_space<hbm>> -> memref<1280x16xf32, #tpu.memory_space<hbm>>
      tpu.enqueue_dma source(%dma_start3A_23 : memref<1280x16xf32, #tpu.memory_space<hbm>>) target(%arg7 : memref<1280x16xf32, #tpu.memory_space<vmem>>) target_semaphore(%run_scoped3A_20 : memref<!tpu.dma_semaphore, #tpu.memory_space<semaphore_mem>>)
      %dma_wait3A = arith.constant 0 : i32
      %dma_wait3A_24 = tpu.memref_slice %arg2[%mul3A_4, %dma_wait3A] : memref<40960x128xf32, #tpu.memory_space<hbm>> -> memref<1280x16xf32, #tpu.memory_space<hbm>>
      %dma_wait3A_25 = arith.constant 0 : i32
      %dma_wait3A_26 = tpu.memref_slice %arg2[%mul3A_4, %dma_wait3A_25] : memref<40960x128xf32, #tpu.memory_space<hbm>> -> memref<1280x16xf32, #tpu.memory_space<hbm>>
      tpu.wait_dma2 semaphore(%run_scoped3A_20 : memref<!tpu.dma_semaphore, #tpu.memory_space<semaphore_mem>>) src(%dma_wait3A_26 : memref<1280x16xf32, #tpu.memory_space<hbm>>) dst(%arg7 : memref<1280x16xf32, #tpu.memory_space<vmem>>)
      tpu.yield
    }) : () -> ()
    %run_scoped3A = arith.constant 0 : i32
    "tpu.region"() ({
      %run_scoped3A_20 = tpu.sem_alloc : memref<!tpu.dma_semaphore, #tpu.memory_space<semaphore_mem>>
      %dma_start3A = arith.constant 0 : i32
      %dma_start3A_21 = arith.constant 0 : i32
      %dma_start3A_22 = tpu.memref_slice %arg7[%dma_start3A, %dma_start3A_21] : memref<1280x16xf32, #tpu.memory_space<vmem>> -> memref<128x16xf32, #tpu.memory_space<vmem>>
      %dma_start3A_23 = arith.constant 0 : i32
      %dma_start3A_24 = tpu.memref_slice %arg6[%run_scoped3A, %dma_start3A_23] : memref<16x128xi32, #tpu.memory_space<vmem>> -> memref<1x128xi32, #tpu.memory_space<vmem>>
      %dma_start3A_25 = tpu.memref_squeeze %dma_start3A_24 : memref<1x128xi32, #tpu.memory_space<vmem>> -> memref<128xi32, #tpu.memory_space<vmem>>
      %dma_start3A_26 = arith.constant 0 : i32
      %dma_start3A_27 = arith.constant 0 : i32
      %dma_start3A_28 = tpu.memref_slice %arg8[%dma_start3A_26, %dma_start3A_27] : memref<5120x16xf32, #tpu.memory_space<vmem_shared>> -> memref<5120x16xf32, #tpu.memory_space<vmem_shared>>
      tpu.enqueue_indirect_dma source(%dma_start3A_22 : memref<128x16xf32, #tpu.memory_space<vmem>>) target(%dma_start3A_28 : memref<5120x16xf32, #tpu.memory_space<vmem_shared>>) offsets(%dma_start3A_25 : memref<128xi32, #tpu.memory_space<vmem>>) semaphore(%run_scoped3A_20 : memref<!tpu.dma_semaphore, #tpu.memory_space<semaphore_mem>>) {add = true}
      %dma_wait3A = arith.constant 0 : i32
      %dma_wait3A_29 = arith.constant 0 : i32
      %dma_wait3A_30 = tpu.memref_slice %arg7[%dma_wait3A, %dma_wait3A_29] : memref<1280x16xf32, #tpu.memory_space<vmem>> -> memref<128x16xf32, #tpu.memory_space<vmem>>
      %dma_wait3A_31 = arith.constant 0 : i32
      %dma_wait3A_32 = tpu.memref_slice %arg6[%run_scoped3A, %dma_wait3A_31] : memref<16x128xi32, #tpu.memory_space<vmem>> -> memref<1x128xi32, #tpu.memory_space<vmem>>
      %dma_wait3A_33 = tpu.memref_squeeze %dma_wait3A_32 : memref<1x128xi32, #tpu.memory_space<vmem>> -> memref<128xi32, #tpu.memory_space<vmem>>
      %dma_wait3A_34 = arith.constant 0 : i32
      %dma_wait3A_35 = arith.constant 0 : i32
      %dma_wait3A_36 = tpu.memref_slice %arg8[%dma_wait3A_34, %dma_wait3A_35] : memref<5120x16xf32, #tpu.memory_space<vmem_shared>> -> memref<5120x16xf32, #tpu.memory_space<vmem_shared>>
      tpu.wait_indirect_dma semaphore(%run_scoped3A_20 : memref<!tpu.dma_semaphore, #tpu.memory_space<semaphore_mem>>) src(%dma_wait3A_30 : memref<128x16xf32, #tpu.memory_space<vmem>>) dst(%dma_wait3A_36 : memref<5120x16xf32, #tpu.memory_space<vmem_shared>>)
      tpu.yield
    }) : () -> ()
    %run_scoped3A_5 = arith.constant 1 : i32
    "tpu.region"() ({
      %run_scoped3A_20 = tpu.sem_alloc : memref<!tpu.dma_semaphore, #tpu.memory_space<semaphore_mem>>
      %dma_start3A = arith.constant 128 : i32
      %dma_start3A_21 = arith.constant 0 : i32
      %dma_start3A_22 = tpu.memref_slice %arg7[%dma_start3A, %dma_start3A_21] : memref<1280x16xf32, #tpu.memory_space<vmem>> -> memref<128x16xf32, #tpu.memory_space<vmem>>
      %dma_start3A_23 = arith.constant 0 : i32
      %dma_start3A_24 = tpu.memref_slice %arg6[%run_scoped3A_5, %dma_start3A_23] : memref<16x128xi32, #tpu.memory_space<vmem>> -> memref<1x128xi32, #tpu.memory_space<vmem>>
      %dma_start3A_25 = tpu.memref_squeeze %dma_start3A_24 : memref<1x128xi32, #tpu.memory_space<vmem>> -> memref<128xi32, #tpu.memory_space<vmem>>
      %dma_start3A_26 = arith.constant 0 : i32
      %dma_start3A_27 = arith.constant 0 : i32
      %dma_start3A_28 = tpu.memref_slice %arg8[%dma_start3A_26, %dma_start3A_27] : memref<5120x16xf32, #tpu.memory_space<vmem_shared>> -> memref<5120x16xf32, #tpu.memory_space<vmem_shared>>
      tpu.enqueue_indirect_dma source(%dma_start3A_22 : memref<128x16xf32, #tpu.memory_space<vmem>>) target(%dma_start3A_28 : memref<5120x16xf32, #tpu.memory_space<vmem_shared>>) offsets(%dma_start3A_25 : memref<128xi32, #tpu.memory_space<vmem>>) semaphore(%run_scoped3A_20 : memref<!tpu.dma_semaphore, #tpu.memory_space<semaphore_mem>>) {add = true}
      %dma_wait3A = arith.constant 128 : i32
      %dma_wait3A_29 = arith.constant 0 : i32
      %dma_wait3A_30 = tpu.memref_slice %arg7[%dma_wait3A, %dma_wait3A_29] : memref<1280x16xf32, #tpu.memory_space<vmem>> -> memref<128x16xf32, #tpu.memory_space<vmem>>
      %dma_wait3A_31 = arith.constant 0 : i32
      %dma_wait3A_32 = tpu.memref_slice %arg6[%run_scoped3A_5, %dma_wait3A_31] : memref<16x128xi32, #tpu.memory_space<vmem>> -> memref<1x128xi32, #tpu.memory_space<vmem>>
      %dma_wait3A_33 = tpu.memref_squeeze %dma_wait3A_32 : memref<1x128xi32, #tpu.memory_space<vmem>> -> memref<128xi32, #tpu.memory_space<vmem>>
      %dma_wait3A_34 = arith.constant 0 : i32
      %dma_wait3A_35 = arith.constant 0 : i32
      %dma_wait3A_36 = tpu.memref_slice %arg8[%dma_wait3A_34, %dma_wait3A_35] : memref<5120x16xf32, #tpu.memory_space<vmem_shared>> -> memref<5120x16xf32, #tpu.memory_space<vmem_shared>>
      tpu.wait_indirect_dma semaphore(%run_scoped3A_20 : memref<!tpu.dma_semaphore, #tpu.memory_space<semaphore_mem>>) src(%dma_wait3A_30 : memref<128x16xf32, #tpu.memory_space<vmem>>) dst(%dma_wait3A_36 : memref<5120x16xf32, #tpu.memory_space<vmem_shared>>)
      tpu.yield
    }) : () -> ()
    %run_scoped3A_6 = arith.constant 2 : i32
    "tpu.region"() ({
      %run_scoped3A_20 = tpu.sem_alloc : memref<!tpu.dma_semaphore, #tpu.memory_space<semaphore_mem>>
      %dma_start3A = arith.constant 256 : i32
      %dma_start3A_21 = arith.constant 0 : i32
      %dma_start3A_22 = tpu.memref_slice %arg7[%dma_start3A, %dma_start3A_21] : memref<1280x16xf32, #tpu.memory_space<vmem>> -> memref<128x16xf32, #tpu.memory_space<vmem>>
      %dma_start3A_23 = arith.constant 0 : i32
      %dma_start3A_24 = tpu.memref_slice %arg6[%run_scoped3A_6, %dma_start3A_23] : memref<16x128xi32, #tpu.memory_space<vmem>> -> memref<1x128xi32, #tpu.memory_space<vmem>>
      %dma_start3A_25 = tpu.memref_squeeze %dma_start3A_24 : memref<1x128xi32, #tpu.memory_space<vmem>> -> memref<128xi32, #tpu.memory_space<vmem>>
      %dma_start3A_26 = arith.constant 0 : i32
      %dma_start3A_27 = arith.constant 0 : i32
      %dma_start3A_28 = tpu.memref_slice %arg8[%dma_start3A_26, %dma_start3A_27] : memref<5120x16xf32, #tpu.memory_space<vmem_shared>> -> memref<5120x16xf32, #tpu.memory_space<vmem_shared>>
      tpu.enqueue_indirect_dma source(%dma_start3A_22 : memref<128x16xf32, #tpu.memory_space<vmem>>) target(%dma_start3A_28 : memref<5120x16xf32, #tpu.memory_space<vmem_shared>>) offsets(%dma_start3A_25 : memref<128xi32, #tpu.memory_space<vmem>>) semaphore(%run_scoped3A_20 : memref<!tpu.dma_semaphore, #tpu.memory_space<semaphore_mem>>) {add = true}
      %dma_wait3A = arith.constant 256 : i32
      %dma_wait3A_29 = arith.constant 0 : i32
      %dma_wait3A_30 = tpu.memref_slice %arg7[%dma_wait3A, %dma_wait3A_29] : memref<1280x16xf32, #tpu.memory_space<vmem>> -> memref<128x16xf32, #tpu.memory_space<vmem>>
      %dma_wait3A_31 = arith.constant 0 : i32
      %dma_wait3A_32 = tpu.memref_slice %arg6[%run_scoped3A_6, %dma_wait3A_31] : memref<16x128xi32, #tpu.memory_space<vmem>> -> memref<1x128xi32, #tpu.memory_space<vmem>>
      %dma_wait3A_33 = tpu.memref_squeeze %dma_wait3A_32 : memref<1x128xi32, #tpu.memory_space<vmem>> -> memref<128xi32, #tpu.memory_space<vmem>>
      %dma_wait3A_34 = arith.constant 0 : i32
      %dma_wait3A_35 = arith.constant 0 : i32
      %dma_wait3A_36 = tpu.memref_slice %arg8[%dma_wait3A_34, %dma_wait3A_35] : memref<5120x16xf32, #tpu.memory_space<vmem_shared>> -> memref<5120x16xf32, #tpu.memory_space<vmem_shared>>
      tpu.wait_indirect_dma semaphore(%run_scoped3A_20 : memref<!tpu.dma_semaphore, #tpu.memory_space<semaphore_mem>>) src(%dma_wait3A_30 : memref<128x16xf32, #tpu.memory_space<vmem>>) dst(%dma_wait3A_36 : memref<5120x16xf32, #tpu.memory_space<vmem_shared>>)
      tpu.yield
    }) : () -> ()
    %run_scoped3A_7 = arith.constant 3 : i32
    "tpu.region"() ({
      %run_scoped3A_20 = tpu.sem_alloc : memref<!tpu.dma_semaphore, #tpu.memory_space<semaphore_mem>>
      %dma_start3A = arith.constant 384 : i32
      %dma_start3A_21 = arith.constant 0 : i32
      %dma_start3A_22 = tpu.memref_slice %arg7[%dma_start3A, %dma_start3A_21] : memref<1280x16xf32, #tpu.memory_space<vmem>> -> memref<128x16xf32, #tpu.memory_space<vmem>>
      %dma_start3A_23 = arith.constant 0 : i32
      %dma_start3A_24 = tpu.memref_slice %arg6[%run_scoped3A_7, %dma_start3A_23] : memref<16x128xi32, #tpu.memory_space<vmem>> -> memref<1x128xi32, #tpu.memory_space<vmem>>
      %dma_start3A_25 = tpu.memref_squeeze %dma_start3A_24 : memref<1x128xi32, #tpu.memory_space<vmem>> -> memref<128xi32, #tpu.memory_space<vmem>>
      %dma_start3A_26 = arith.constant 0 : i32
      %dma_start3A_27 = arith.constant 0 : i32
      %dma_start3A_28 = tpu.memref_slice %arg8[%dma_start3A_26, %dma_start3A_27] : memref<5120x16xf32, #tpu.memory_space<vmem_shared>> -> memref<5120x16xf32, #tpu.memory_space<vmem_shared>>
      tpu.enqueue_indirect_dma source(%dma_start3A_22 : memref<128x16xf32, #tpu.memory_space<vmem>>) target(%dma_start3A_28 : memref<5120x16xf32, #tpu.memory_space<vmem_shared>>) offsets(%dma_start3A_25 : memref<128xi32, #tpu.memory_space<vmem>>) semaphore(%run_scoped3A_20 : memref<!tpu.dma_semaphore, #tpu.memory_space<semaphore_mem>>) {add = true}
      %dma_wait3A = arith.constant 384 : i32
      %dma_wait3A_29 = arith.constant 0 : i32
      %dma_wait3A_30 = tpu.memref_slice %arg7[%dma_wait3A, %dma_wait3A_29] : memref<1280x16xf32, #tpu.memory_space<vmem>> -> memref<128x16xf32, #tpu.memory_space<vmem>>
      %dma_wait3A_31 = arith.constant 0 : i32
      %dma_wait3A_32 = tpu.memref_slice %arg6[%run_scoped3A_7, %dma_wait3A_31] : memref<16x128xi32, #tpu.memory_space<vmem>> -> memref<1x128xi32, #tpu.memory_space<vmem>>
      %dma_wait3A_33 = tpu.memref_squeeze %dma_wait3A_32 : memref<1x128xi32, #tpu.memory_space<vmem>> -> memref<128xi32, #tpu.memory_space<vmem>>
      %dma_wait3A_34 = arith.constant 0 : i32
      %dma_wait3A_35 = arith.constant 0 : i32
      %dma_wait3A_36 = tpu.memref_slice %arg8[%dma_wait3A_34, %dma_wait3A_35] : memref<5120x16xf32, #tpu.memory_space<vmem_shared>> -> memref<5120x16xf32, #tpu.memory_space<vmem_shared>>
      tpu.wait_indirect_dma semaphore(%run_scoped3A_20 : memref<!tpu.dma_semaphore, #tpu.memory_space<semaphore_mem>>) src(%dma_wait3A_30 : memref<128x16xf32, #tpu.memory_space<vmem>>) dst(%dma_wait3A_36 : memref<5120x16xf32, #tpu.memory_space<vmem_shared>>)
      tpu.yield
    }) : () -> ()
    %run_scoped3A_8 = arith.constant 4 : i32
    "tpu.region"() ({
      %run_scoped3A_20 = tpu.sem_alloc : memref<!tpu.dma_semaphore, #tpu.memory_space<semaphore_mem>>
      %dma_start3A = arith.constant 512 : i32
      %dma_start3A_21 = arith.constant 0 : i32
      %dma_start3A_22 = tpu.memref_slice %arg7[%dma_start3A, %dma_start3A_21] : memref<1280x16xf32, #tpu.memory_space<vmem>> -> memref<128x16xf32, #tpu.memory_space<vmem>>
      %dma_start3A_23 = arith.constant 0 : i32
      %dma_start3A_24 = tpu.memref_slice %arg6[%run_scoped3A_8, %dma_start3A_23] : memref<16x128xi32, #tpu.memory_space<vmem>> -> memref<1x128xi32, #tpu.memory_space<vmem>>
      %dma_start3A_25 = tpu.memref_squeeze %dma_start3A_24 : memref<1x128xi32, #tpu.memory_space<vmem>> -> memref<128xi32, #tpu.memory_space<vmem>>
      %dma_start3A_26 = arith.constant 0 : i32
      %dma_start3A_27 = arith.constant 0 : i32
      %dma_start3A_28 = tpu.memref_slice %arg8[%dma_start3A_26, %dma_start3A_27] : memref<5120x16xf32, #tpu.memory_space<vmem_shared>> -> memref<5120x16xf32, #tpu.memory_space<vmem_shared>>
      tpu.enqueue_indirect_dma source(%dma_start3A_22 : memref<128x16xf32, #tpu.memory_space<vmem>>) target(%dma_start3A_28 : memref<5120x16xf32, #tpu.memory_space<vmem_shared>>) offsets(%dma_start3A_25 : memref<128xi32, #tpu.memory_space<vmem>>) semaphore(%run_scoped3A_20 : memref<!tpu.dma_semaphore, #tpu.memory_space<semaphore_mem>>) {add = true}
      %dma_wait3A = arith.constant 512 : i32
      %dma_wait3A_29 = arith.constant 0 : i32
      %dma_wait3A_30 = tpu.memref_slice %arg7[%dma_wait3A, %dma_wait3A_29] : memref<1280x16xf32, #tpu.memory_space<vmem>> -> memref<128x16xf32, #tpu.memory_space<vmem>>
      %dma_wait3A_31 = arith.constant 0 : i32
      %dma_wait3A_32 = tpu.memref_slice %arg6[%run_scoped3A_8, %dma_wait3A_31] : memref<16x128xi32, #tpu.memory_space<vmem>> -> memref<1x128xi32, #tpu.memory_space<vmem>>
      %dma_wait3A_33 = tpu.memref_squeeze %dma_wait3A_32 : memref<1x128xi32, #tpu.memory_space<vmem>> -> memref<128xi32, #tpu.memory_space<vmem>>
      %dma_wait3A_34 = arith.constant 0 : i32
      %dma_wait3A_35 = arith.constant 0 : i32
      %dma_wait3A_36 = tpu.memref_slice %arg8[%dma_wait3A_34, %dma_wait3A_35] : memref<5120x16xf32, #tpu.memory_space<vmem_shared>> -> memref<5120x16xf32, #tpu.memory_space<vmem_shared>>
      tpu.wait_indirect_dma semaphore(%run_scoped3A_20 : memref<!tpu.dma_semaphore, #tpu.memory_space<semaphore_mem>>) src(%dma_wait3A_30 : memref<128x16xf32, #tpu.memory_space<vmem>>) dst(%dma_wait3A_36 : memref<5120x16xf32, #tpu.memory_space<vmem_shared>>)
      tpu.yield
    }) : () -> ()
    %run_scoped3A_9 = arith.constant 5 : i32
    "tpu.region"() ({
      %run_scoped3A_20 = tpu.sem_alloc : memref<!tpu.dma_semaphore, #tpu.memory_space<semaphore_mem>>
      %dma_start3A = arith.constant 640 : i32
      %dma_start3A_21 = arith.constant 0 : i32
      %dma_start3A_22 = tpu.memref_slice %arg7[%dma_start3A, %dma_start3A_21] : memref<1280x16xf32, #tpu.memory_space<vmem>> -> memref<128x16xf32, #tpu.memory_space<vmem>>
      %dma_start3A_23 = arith.constant 0 : i32
      %dma_start3A_24 = tpu.memref_slice %arg6[%run_scoped3A_9, %dma_start3A_23] : memref<16x128xi32, #tpu.memory_space<vmem>> -> memref<1x128xi32, #tpu.memory_space<vmem>>
      %dma_start3A_25 = tpu.memref_squeeze %dma_start3A_24 : memref<1x128xi32, #tpu.memory_space<vmem>> -> memref<128xi32, #tpu.memory_space<vmem>>
      %dma_start3A_26 = arith.constant 0 : i32
      %dma_start3A_27 = arith.constant 0 : i32
      %dma_start3A_28 = tpu.memref_slice %arg8[%dma_start3A_26, %dma_start3A_27] : memref<5120x16xf32, #tpu.memory_space<vmem_shared>> -> memref<5120x16xf32, #tpu.memory_space<vmem_shared>>
      tpu.enqueue_indirect_dma source(%dma_start3A_22 : memref<128x16xf32, #tpu.memory_space<vmem>>) target(%dma_start3A_28 : memref<5120x16xf32, #tpu.memory_space<vmem_shared>>) offsets(%dma_start3A_25 : memref<128xi32, #tpu.memory_space<vmem>>) semaphore(%run_scoped3A_20 : memref<!tpu.dma_semaphore, #tpu.memory_space<semaphore_mem>>) {add = true}
      %dma_wait3A = arith.constant 640 : i32
      %dma_wait3A_29 = arith.constant 0 : i32
      %dma_wait3A_30 = tpu.memref_slice %arg7[%dma_wait3A, %dma_wait3A_29] : memref<1280x16xf32, #tpu.memory_space<vmem>> -> memref<128x16xf32, #tpu.memory_space<vmem>>
      %dma_wait3A_31 = arith.constant 0 : i32
      %dma_wait3A_32 = tpu.memref_slice %arg6[%run_scoped3A_9, %dma_wait3A_31] : memref<16x128xi32, #tpu.memory_space<vmem>> -> memref<1x128xi32, #tpu.memory_space<vmem>>
      %dma_wait3A_33 = tpu.memref_squeeze %dma_wait3A_32 : memref<1x128xi32, #tpu.memory_space<vmem>> -> memref<128xi32, #tpu.memory_space<vmem>>
      %dma_wait3A_34 = arith.constant 0 : i32
      %dma_wait3A_35 = arith.constant 0 : i32
      %dma_wait3A_36 = tpu.memref_slice %arg8[%dma_wait3A_34, %dma_wait3A_35] : memref<5120x16xf32, #tpu.memory_space<vmem_shared>> -> memref<5120x16xf32, #tpu.memory_space<vmem_shared>>
      tpu.wait_indirect_dma semaphore(%run_scoped3A_20 : memref<!tpu.dma_semaphore, #tpu.memory_space<semaphore_mem>>) src(%dma_wait3A_30 : memref<128x16xf32, #tpu.memory_space<vmem>>) dst(%dma_wait3A_36 : memref<5120x16xf32, #tpu.memory_space<vmem_shared>>)
      tpu.yield
    }) : () -> ()
    %run_scoped3A_10 = arith.constant 6 : i32
    "tpu.region"() ({
      %run_scoped3A_20 = tpu.sem_alloc : memref<!tpu.dma_semaphore, #tpu.memory_space<semaphore_mem>>
      %dma_start3A = arith.constant 768 : i32
      %dma_start3A_21 = arith.constant 0 : i32
      %dma_start3A_22 = tpu.memref_slice %arg7[%dma_start3A, %dma_start3A_21] : memref<1280x16xf32, #tpu.memory_space<vmem>> -> memref<128x16xf32, #tpu.memory_space<vmem>>
      %dma_start3A_23 = arith.constant 0 : i32
      %dma_start3A_24 = tpu.memref_slice %arg6[%run_scoped3A_10, %dma_start3A_23] : memref<16x128xi32, #tpu.memory_space<vmem>> -> memref<1x128xi32, #tpu.memory_space<vmem>>
      %dma_start3A_25 = tpu.memref_squeeze %dma_start3A_24 : memref<1x128xi32, #tpu.memory_space<vmem>> -> memref<128xi32, #tpu.memory_space<vmem>>
      %dma_start3A_26 = arith.constant 0 : i32
      %dma_start3A_27 = arith.constant 0 : i32
      %dma_start3A_28 = tpu.memref_slice %arg8[%dma_start3A_26, %dma_start3A_27] : memref<5120x16xf32, #tpu.memory_space<vmem_shared>> -> memref<5120x16xf32, #tpu.memory_space<vmem_shared>>
      tpu.enqueue_indirect_dma source(%dma_start3A_22 : memref<128x16xf32, #tpu.memory_space<vmem>>) target(%dma_start3A_28 : memref<5120x16xf32, #tpu.memory_space<vmem_shared>>) offsets(%dma_start3A_25 : memref<128xi32, #tpu.memory_space<vmem>>) semaphore(%run_scoped3A_20 : memref<!tpu.dma_semaphore, #tpu.memory_space<semaphore_mem>>) {add = true}
      %dma_wait3A = arith.constant 768 : i32
      %dma_wait3A_29 = arith.constant 0 : i32
      %dma_wait3A_30 = tpu.memref_slice %arg7[%dma_wait3A, %dma_wait3A_29] : memref<1280x16xf32, #tpu.memory_space<vmem>> -> memref<128x16xf32, #tpu.memory_space<vmem>>
      %dma_wait3A_31 = arith.constant 0 : i32
      %dma_wait3A_32 = tpu.memref_slice %arg6[%run_scoped3A_10, %dma_wait3A_31] : memref<16x128xi32, #tpu.memory_space<vmem>> -> memref<1x128xi32, #tpu.memory_space<vmem>>
      %dma_wait3A_33 = tpu.memref_squeeze %dma_wait3A_32 : memref<1x128xi32, #tpu.memory_space<vmem>> -> memref<128xi32, #tpu.memory_space<vmem>>
      %dma_wait3A_34 = arith.constant 0 : i32
      %dma_wait3A_35 = arith.constant 0 : i32
      %dma_wait3A_36 = tpu.memref_slice %arg8[%dma_wait3A_34, %dma_wait3A_35] : memref<5120x16xf32, #tpu.memory_space<vmem_shared>> -> memref<5120x16xf32, #tpu.memory_space<vmem_shared>>
      tpu.wait_indirect_dma semaphore(%run_scoped3A_20 : memref<!tpu.dma_semaphore, #tpu.memory_space<semaphore_mem>>) src(%dma_wait3A_30 : memref<128x16xf32, #tpu.memory_space<vmem>>) dst(%dma_wait3A_36 : memref<5120x16xf32, #tpu.memory_space<vmem_shared>>)
      tpu.yield
    }) : () -> ()
    %run_scoped3A_11 = arith.constant 7 : i32
    "tpu.region"() ({
      %run_scoped3A_20 = tpu.sem_alloc : memref<!tpu.dma_semaphore, #tpu.memory_space<semaphore_mem>>
      %dma_start3A = arith.constant 896 : i32
      %dma_start3A_21 = arith.constant 0 : i32
      %dma_start3A_22 = tpu.memref_slice %arg7[%dma_start3A, %dma_start3A_21] : memref<1280x16xf32, #tpu.memory_space<vmem>> -> memref<128x16xf32, #tpu.memory_space<vmem>>
      %dma_start3A_23 = arith.constant 0 : i32
      %dma_start3A_24 = tpu.memref_slice %arg6[%run_scoped3A_11, %dma_start3A_23] : memref<16x128xi32, #tpu.memory_space<vmem>> -> memref<1x128xi32, #tpu.memory_space<vmem>>
      %dma_start3A_25 = tpu.memref_squeeze %dma_start3A_24 : memref<1x128xi32, #tpu.memory_space<vmem>> -> memref<128xi32, #tpu.memory_space<vmem>>
      %dma_start3A_26 = arith.constant 0 : i32
      %dma_start3A_27 = arith.constant 0 : i32
      %dma_start3A_28 = tpu.memref_slice %arg8[%dma_start3A_26, %dma_start3A_27] : memref<5120x16xf32, #tpu.memory_space<vmem_shared>> -> memref<5120x16xf32, #tpu.memory_space<vmem_shared>>
      tpu.enqueue_indirect_dma source(%dma_start3A_22 : memref<128x16xf32, #tpu.memory_space<vmem>>) target(%dma_start3A_28 : memref<5120x16xf32, #tpu.memory_space<vmem_shared>>) offsets(%dma_start3A_25 : memref<128xi32, #tpu.memory_space<vmem>>) semaphore(%run_scoped3A_20 : memref<!tpu.dma_semaphore, #tpu.memory_space<semaphore_mem>>) {add = true}
      %dma_wait3A = arith.constant 896 : i32
      %dma_wait3A_29 = arith.constant 0 : i32
      %dma_wait3A_30 = tpu.memref_slice %arg7[%dma_wait3A, %dma_wait3A_29] : memref<1280x16xf32, #tpu.memory_space<vmem>> -> memref<128x16xf32, #tpu.memory_space<vmem>>
      %dma_wait3A_31 = arith.constant 0 : i32
      %dma_wait3A_32 = tpu.memref_slice %arg6[%run_scoped3A_11, %dma_wait3A_31] : memref<16x128xi32, #tpu.memory_space<vmem>> -> memref<1x128xi32, #tpu.memory_space<vmem>>
      %dma_wait3A_33 = tpu.memref_squeeze %dma_wait3A_32 : memref<1x128xi32, #tpu.memory_space<vmem>> -> memref<128xi32, #tpu.memory_space<vmem>>
      %dma_wait3A_34 = arith.constant 0 : i32
      %dma_wait3A_35 = arith.constant 0 : i32
      %dma_wait3A_36 = tpu.memref_slice %arg8[%dma_wait3A_34, %dma_wait3A_35] : memref<5120x16xf32, #tpu.memory_space<vmem_shared>> -> memref<5120x16xf32, #tpu.memory_space<vmem_shared>>
      tpu.wait_indirect_dma semaphore(%run_scoped3A_20 : memref<!tpu.dma_semaphore, #tpu.memory_space<semaphore_mem>>) src(%dma_wait3A_30 : memref<128x16xf32, #tpu.memory_space<vmem>>) dst(%dma_wait3A_36 : memref<5120x16xf32, #tpu.memory_space<vmem_shared>>)
      tpu.yield
    }) : () -> ()
    %run_scoped3A_12 = arith.constant 8 : i32
    "tpu.region"() ({
      %run_scoped3A_20 = tpu.sem_alloc : memref<!tpu.dma_semaphore, #tpu.memory_space<semaphore_mem>>
      %dma_start3A = arith.constant 1024 : i32
      %dma_start3A_21 = arith.constant 0 : i32
      %dma_start3A_22 = tpu.memref_slice %arg7[%dma_start3A, %dma_start3A_21] : memref<1280x16xf32, #tpu.memory_space<vmem>> -> memref<128x16xf32, #tpu.memory_space<vmem>>
      %dma_start3A_23 = arith.constant 0 : i32
      %dma_start3A_24 = tpu.memref_slice %arg6[%run_scoped3A_12, %dma_start3A_23] : memref<16x128xi32, #tpu.memory_space<vmem>> -> memref<1x128xi32, #tpu.memory_space<vmem>>
      %dma_start3A_25 = tpu.memref_squeeze %dma_start3A_24 : memref<1x128xi32, #tpu.memory_space<vmem>> -> memref<128xi32, #tpu.memory_space<vmem>>
      %dma_start3A_26 = arith.constant 0 : i32
      %dma_start3A_27 = arith.constant 0 : i32
      %dma_start3A_28 = tpu.memref_slice %arg8[%dma_start3A_26, %dma_start3A_27] : memref<5120x16xf32, #tpu.memory_space<vmem_shared>> -> memref<5120x16xf32, #tpu.memory_space<vmem_shared>>
      tpu.enqueue_indirect_dma source(%dma_start3A_22 : memref<128x16xf32, #tpu.memory_space<vmem>>) target(%dma_start3A_28 : memref<5120x16xf32, #tpu.memory_space<vmem_shared>>) offsets(%dma_start3A_25 : memref<128xi32, #tpu.memory_space<vmem>>) semaphore(%run_scoped3A_20 : memref<!tpu.dma_semaphore, #tpu.memory_space<semaphore_mem>>) {add = true}
      %dma_wait3A = arith.constant 1024 : i32
      %dma_wait3A_29 = arith.constant 0 : i32
      %dma_wait3A_30 = tpu.memref_slice %arg7[%dma_wait3A, %dma_wait3A_29] : memref<1280x16xf32, #tpu.memory_space<vmem>> -> memref<128x16xf32, #tpu.memory_space<vmem>>
      %dma_wait3A_31 = arith.constant 0 : i32
      %dma_wait3A_32 = tpu.memref_slice %arg6[%run_scoped3A_12, %dma_wait3A_31] : memref<16x128xi32, #tpu.memory_space<vmem>> -> memref<1x128xi32, #tpu.memory_space<vmem>>
      %dma_wait3A_33 = tpu.memref_squeeze %dma_wait3A_32 : memref<1x128xi32, #tpu.memory_space<vmem>> -> memref<128xi32, #tpu.memory_space<vmem>>
      %dma_wait3A_34 = arith.constant 0 : i32
      %dma_wait3A_35 = arith.constant 0 : i32
      %dma_wait3A_36 = tpu.memref_slice %arg8[%dma_wait3A_34, %dma_wait3A_35] : memref<5120x16xf32, #tpu.memory_space<vmem_shared>> -> memref<5120x16xf32, #tpu.memory_space<vmem_shared>>
      tpu.wait_indirect_dma semaphore(%run_scoped3A_20 : memref<!tpu.dma_semaphore, #tpu.memory_space<semaphore_mem>>) src(%dma_wait3A_30 : memref<128x16xf32, #tpu.memory_space<vmem>>) dst(%dma_wait3A_36 : memref<5120x16xf32, #tpu.memory_space<vmem_shared>>)
      tpu.yield
    }) : () -> ()
    %run_scoped3A_13 = arith.constant 9 : i32
    "tpu.region"() ({
      %run_scoped3A_20 = tpu.sem_alloc : memref<!tpu.dma_semaphore, #tpu.memory_space<semaphore_mem>>
      %dma_start3A = arith.constant 1152 : i32
      %dma_start3A_21 = arith.constant 0 : i32
      %dma_start3A_22 = tpu.memref_slice %arg7[%dma_start3A, %dma_start3A_21] : memref<1280x16xf32, #tpu.memory_space<vmem>> -> memref<128x16xf32, #tpu.memory_space<vmem>>
      %dma_start3A_23 = arith.constant 0 : i32
      %dma_start3A_24 = tpu.memref_slice %arg6[%run_scoped3A_13, %dma_start3A_23] : memref<16x128xi32, #tpu.memory_space<vmem>> -> memref<1x128xi32, #tpu.memory_space<vmem>>
      %dma_start3A_25 = tpu.memref_squeeze %dma_start3A_24 : memref<1x128xi32, #tpu.memory_space<vmem>> -> memref<128xi32, #tpu.memory_space<vmem>>
      %dma_start3A_26 = arith.constant 0 : i32
      %dma_start3A_27 = arith.constant 0 : i32
      %dma_start3A_28 = tpu.memref_slice %arg8[%dma_start3A_26, %dma_start3A_27] : memref<5120x16xf32, #tpu.memory_space<vmem_shared>> -> memref<5120x16xf32, #tpu.memory_space<vmem_shared>>
      tpu.enqueue_indirect_dma source(%dma_start3A_22 : memref<128x16xf32, #tpu.memory_space<vmem>>) target(%dma_start3A_28 : memref<5120x16xf32, #tpu.memory_space<vmem_shared>>) offsets(%dma_start3A_25 : memref<128xi32, #tpu.memory_space<vmem>>) semaphore(%run_scoped3A_20 : memref<!tpu.dma_semaphore, #tpu.memory_space<semaphore_mem>>) {add = true}
      %dma_wait3A = arith.constant 1152 : i32
      %dma_wait3A_29 = arith.constant 0 : i32
      %dma_wait3A_30 = tpu.memref_slice %arg7[%dma_wait3A, %dma_wait3A_29] : memref<1280x16xf32, #tpu.memory_space<vmem>> -> memref<128x16xf32, #tpu.memory_space<vmem>>
      %dma_wait3A_31 = arith.constant 0 : i32
      %dma_wait3A_32 = tpu.memref_slice %arg6[%run_scoped3A_13, %dma_wait3A_31] : memref<16x128xi32, #tpu.memory_space<vmem>> -> memref<1x128xi32, #tpu.memory_space<vmem>>
      %dma_wait3A_33 = tpu.memref_squeeze %dma_wait3A_32 : memref<1x128xi32, #tpu.memory_space<vmem>> -> memref<128xi32, #tpu.memory_space<vmem>>
      %dma_wait3A_34 = arith.constant 0 : i32
      %dma_wait3A_35 = arith.constant 0 : i32
      %dma_wait3A_36 = tpu.memref_slice %arg8[%dma_wait3A_34, %dma_wait3A_35] : memref<5120x16xf32, #tpu.memory_space<vmem_shared>> -> memref<5120x16xf32, #tpu.memory_space<vmem_shared>>
      tpu.wait_indirect_dma semaphore(%run_scoped3A_20 : memref<!tpu.dma_semaphore, #tpu.memory_space<semaphore_mem>>) src(%dma_wait3A_30 : memref<128x16xf32, #tpu.memory_space<vmem>>) dst(%dma_wait3A_36 : memref<5120x16xf32, #tpu.memory_space<vmem_shared>>)
      tpu.yield
    }) : () -> ()
    %barrier3A_14 = arith.constant 0 : index
    tpu.barrier barrier_id(%barrier3A_14)
    %eq3A_15 = arith.constant 0 : i32
    %eq3A_16 = arith.cmpi eq, %arg1, %eq3A_15 : i32
    %convert_element_type3A_17 = arith.extui %eq3A_16 : i1 to i32
    %cond3A_18 = arith.constant 0 : i32
    %cond3A_19 = arith.cmpi ne, %convert_element_type3A_17, %cond3A_18 : i32
    scf.if %cond3A_19 {
      "tpu.region"() ({
        %run_scoped3A_20 = tpu.sem_alloc : memref<!tpu.dma_semaphore, #tpu.memory_space<semaphore_mem>>
        %dma_start3A = arith.constant 0 : i32
        %dma_start3A_21 = arith.constant 0 : i32
        %dma_start3A_22 = tpu.memref_slice %arg5[%arg0, %dma_start3A, %dma_start3A_21] : memref<2x5120x128xf32, #tpu.memory_space<hbm>> -> memref<1x5120x16xf32, #tpu.memory_space<hbm>>
        %dma_start3A_23 = tpu.memref_squeeze %dma_start3A_22 : memref<1x5120x16xf32, #tpu.memory_space<hbm>> -> memref<5120x16xf32, #tpu.memory_space<hbm>>
        tpu.enqueue_dma source(%arg8 : memref<5120x16xf32, #tpu.memory_space<vmem_shared>>) target(%dma_start3A_23 : memref<5120x16xf32, #tpu.memory_space<hbm>>) target_semaphore(%run_scoped3A_20 : memref<!tpu.dma_semaphore, #tpu.memory_space<semaphore_mem>>)
        %dma_wait3A = arith.constant 0 : i32
        %dma_wait3A_24 = arith.constant 0 : i32
        %dma_wait3A_25 = tpu.memref_slice %arg5[%arg0, %dma_wait3A, %dma_wait3A_24] : memref<2x5120x128xf32, #tpu.memory_space<hbm>> -> memref<1x5120x16xf32, #tpu.memory_space<hbm>>
        %dma_wait3A_26 = tpu.memref_squeeze %dma_wait3A_25 : memref<1x5120x16xf32, #tpu.memory_space<hbm>> -> memref<5120x16xf32, #tpu.memory_space<hbm>>
        tpu.wait_dma2 semaphore(%run_scoped3A_20 : memref<!tpu.dma_semaphore, #tpu.memory_space<semaphore_mem>>) src(%arg8 : memref<5120x16xf32, #tpu.memory_space<vmem_shared>>) dst(%dma_wait3A_26 : memref<5120x16xf32, #tpu.memory_space<hbm>>)
        tpu.yield
      }) : () -> ()
    } else {
    }
    return
  }
}

module attributes {stable_mosaic.version = 14 : i64} {
  func.func @_node_body(%arg0: i32, %arg1: memref<640x64xf32, #tpu.memory_space<vmem>>, %arg2: memref<640x8xf32, #tpu.memory_space<vmem>>, %arg3: memref<64x240xf32, #tpu.memory_space<vmem>>, %arg4: memref<240x40xf32, #tpu.memory_space<vmem>>, %arg5: memref<40x48xf32, #tpu.memory_space<vmem>>, %arg6: memref<8x48xf32, #tpu.memory_space<vmem>>, %arg7: memref<640x48xf32, #tpu.memory_space<vmem>>) attributes {dimension_semantics = [#tpu.dimension_semantics<arbitrary>], iteration_bounds = array<i64: 8>, scalar_prefetch = 0 : i64, scratch_operands = 0 : i64, tpu.core_type = #tpu.core_type<tc>, window_params = [{transform_indices = @transform_0, window_bounds = array<i64: 640, 64>}, {transform_indices = @transform_1, window_bounds = array<i64: 640, 8>}, {pipeline_mode = #tpu.pipeline_mode<synchronous>, transform_indices = @transform_2, window_bounds = array<i64: 64, 240>}, {pipeline_mode = #tpu.pipeline_mode<synchronous>, transform_indices = @transform_3, window_bounds = array<i64: 240, 40>}, {pipeline_mode = #tpu.pipeline_mode<synchronous>, transform_indices = @transform_4, window_bounds = array<i64: 40, 48>}, {pipeline_mode = #tpu.pipeline_mode<synchronous>, transform_indices = @transform_5, window_bounds = array<i64: 8, 48>}, {transform_indices = @transform_6, window_bounds = array<i64: 640, 48>}]} {
    %get3A = arith.constant 0 : index
    %get3A_0 = arith.constant 0 : index
    %get3A_1 = vector.load %arg1[%get3A, %get3A_0] : memref<640x64xf32, #tpu.memory_space<vmem>>, vector<640x64xf32>
    %get3A_2 = arith.constant 0 : index
    %get3A_3 = arith.constant 0 : index
    %get3A_4 = vector.load %arg3[%get3A_2, %get3A_3] : memref<64x240xf32, #tpu.memory_space<vmem>>, vector<64x240xf32>
    %dot_general3A = arith.constant dense<0.000000e+00> : vector<640x240xf32>
    %dot_general3A_5 = tpu.matmul %get3A_1, %get3A_4, %dot_general3A {dimension_numbers = #tpu.dot_dimension_numbers<[1], [0], [0], [1], [0, 0, 1, 1], [], []>, transpose_lhs_hint = false} : vector<640x64xf32>, vector<64x240xf32>, vector<640x240xf32> -> vector<640x240xf32>
    %mul3A = arith.mulf %dot_general3A_5, %dot_general3A_5 : vector<640x240xf32>
    %get3A_6 = arith.constant 0 : index
    %get3A_7 = arith.constant 0 : index
    %get3A_8 = vector.load %arg4[%get3A_6, %get3A_7] : memref<240x40xf32, #tpu.memory_space<vmem>>, vector<240x40xf32>
    %dot_general3A_9 = arith.constant dense<0.000000e+00> : vector<640x40xf32>
    %dot_general3A_10 = tpu.matmul %mul3A, %get3A_8, %dot_general3A_9 {dimension_numbers = #tpu.dot_dimension_numbers<[1], [0], [0], [1], [0, 0, 1, 1], [], []>, transpose_lhs_hint = false} : vector<640x240xf32>, vector<240x40xf32>, vector<640x40xf32> -> vector<640x40xf32>
    %mul3A_11 = arith.constant 0.333333343 : f32
    %mul3A_12 = vector.broadcast %mul3A_11 : f32 to vector<640x40xf32>
    %mul3A_13 = arith.mulf %dot_general3A_10, %mul3A_12 : vector<640x40xf32>
    %sqrt3A = math.sqrt %mul3A_13 : vector<640x40xf32>
    %get3A_14 = arith.constant 0 : index
    %get3A_15 = arith.constant 0 : index
    %get3A_16 = vector.load %arg5[%get3A_14, %get3A_15] : memref<40x48xf32, #tpu.memory_space<vmem>>, vector<40x48xf32>
    %dot_general3A_17 = arith.constant dense<0.000000e+00> : vector<640x48xf32>
    %dot_general3A_18 = tpu.matmul %sqrt3A, %get3A_16, %dot_general3A_17 {dimension_numbers = #tpu.dot_dimension_numbers<[1], [0], [0], [1], [0, 0, 1, 1], [], []>, transpose_lhs_hint = false} : vector<640x40xf32>, vector<40x48xf32>, vector<640x48xf32> -> vector<640x48xf32>
    %get3A_19 = arith.constant 0 : index
    %get3A_20 = arith.constant 0 : index
    %get3A_21 = vector.load %arg2[%get3A_19, %get3A_20] : memref<640x8xf32, #tpu.memory_space<vmem>>, vector<640x8xf32>
    %get3A_22 = arith.constant 0 : index
    %get3A_23 = arith.constant 0 : index
    %get3A_24 = vector.load %arg6[%get3A_22, %get3A_23] : memref<8x48xf32, #tpu.memory_space<vmem>>, vector<8x48xf32>
    %dot_general3A_25 = arith.constant dense<0.000000e+00> : vector<640x48xf32>
    %dot_general3A_26 = tpu.matmul %get3A_21, %get3A_24, %dot_general3A_25 {dimension_numbers = #tpu.dot_dimension_numbers<[1], [0], [0], [1], [0, 0, 1, 1], [], []>, transpose_lhs_hint = false} : vector<640x8xf32>, vector<8x48xf32>, vector<640x48xf32> -> vector<640x48xf32>
    %add3A = arith.addf %dot_general3A_18, %dot_general3A_26 : vector<640x48xf32>
    %swap3A = arith.constant 0 : index
    %swap3A_27 = arith.constant 0 : index
    %swap3A_28 = vector.load %arg7[%swap3A, %swap3A_27] : memref<640x48xf32, #tpu.memory_space<vmem>>, vector<640x48xf32>
    tpu.vector_store %arg7[%swap3A, %swap3A_27], %add3A {strides = array<i32>} : memref<640x48xf32, #tpu.memory_space<vmem>>, vector<640x48xf32>,
    return
  }
  func.func @transform_0(%arg0: i32) -> (i32, i32) {
    %c0_i32 = arith.constant 0 : i32
    %c0_i32_0 = arith.constant 0 : i32
    return %arg0, %c0_i32 : i32, i32
  }
  func.func @transform_1(%arg0: i32) -> (i32, i32) {
    %c0_i32 = arith.constant 0 : i32
    %c0_i32_0 = arith.constant 0 : i32
    return %arg0, %c0_i32 : i32, i32
  }
  func.func @transform_2(%arg0: i32) -> (i32, i32) {
    %c0_i32 = arith.constant 0 : i32
    %c0_i32_0 = arith.constant 0 : i32
    %c0_i32_1 = arith.constant 0 : i32
    return %c0_i32, %c0_i32_0 : i32, i32
  }
  func.func @transform_3(%arg0: i32) -> (i32, i32) {
    %c0_i32 = arith.constant 0 : i32
    %c0_i32_0 = arith.constant 0 : i32
    %c0_i32_1 = arith.constant 0 : i32
    return %c0_i32, %c0_i32_0 : i32, i32
  }
  func.func @transform_4(%arg0: i32) -> (i32, i32) {
    %c0_i32 = arith.constant 0 : i32
    %c0_i32_0 = arith.constant 0 : i32
    %c0_i32_1 = arith.constant 0 : i32
    return %c0_i32, %c0_i32_0 : i32, i32
  }
  func.func @transform_5(%arg0: i32) -> (i32, i32) {
    %c0_i32 = arith.constant 0 : i32
    %c0_i32_0 = arith.constant 0 : i32
    %c0_i32_1 = arith.constant 0 : i32
    return %c0_i32, %c0_i32_0 : i32, i32
  }
  func.func @transform_6(%arg0: i32) -> (i32, i32) {
    %c0_i32 = arith.constant 0 : i32
    %c0_i32_0 = arith.constant 0 : i32
    return %arg0, %c0_i32 : i32, i32
  }
}

module attributes {stable_mosaic.version = 14 : i64} {
  func.func @_edge_body(%arg0: i32, %arg1: memref<4096x128xf32, #tpu.memory_space<vmem>>, %arg2: memref<4096x128xf32, #tpu.memory_space<vmem>>, %arg3: memref<3x4096xf32, #tpu.memory_space<vmem>>, %arg4: memref<48x16xf32, #tpu.memory_space<vmem>>, %arg5: memref<8x16xf32, #tpu.memory_space<vmem>>, %arg6: memref<48x36xf32, #tpu.memory_space<vmem>>, %arg7: memref<48x36xf32, #tpu.memory_space<vmem>>, %arg8: memref<3x36xf32, #tpu.memory_space<vmem>>, %arg9: memref<8x36xf32, #tpu.memory_space<vmem>>, %arg10: memref<36x36xf32, #tpu.memory_space<vmem>>, %arg11: memref<36x36xf32, #tpu.memory_space<vmem>>, %arg12: memref<36x1xf32, #tpu.memory_space<vmem>>, %arg13: memref<4096x128xf32, #tpu.memory_space<vmem>>) attributes {dimension_semantics = [#tpu.dimension_semantics<arbitrary>], iteration_bounds = array<i64: 10>, scalar_prefetch = 0 : i64, scratch_operands = 0 : i64, tpu.core_type = #tpu.core_type<tc>, window_params = [{transform_indices = @transform_0, window_bounds = array<i64: 4096, 128>}, {transform_indices = @transform_1, window_bounds = array<i64: 4096, 128>}, {transform_indices = @transform_2, window_bounds = array<i64: 3, 4096>}, {pipeline_mode = #tpu.pipeline_mode<synchronous>, transform_indices = @transform_3, window_bounds = array<i64: 48, 16>}, {pipeline_mode = #tpu.pipeline_mode<synchronous>, transform_indices = @transform_4, window_bounds = array<i64: 8, 16>}, {pipeline_mode = #tpu.pipeline_mode<synchronous>, transform_indices = @transform_5, window_bounds = array<i64: 48, 36>}, {pipeline_mode = #tpu.pipeline_mode<synchronous>, transform_indices = @transform_6, window_bounds = array<i64: 48, 36>}, {pipeline_mode = #tpu.pipeline_mode<synchronous>, transform_indices = @transform_7, window_bounds = array<i64: 3, 36>}, {pipeline_mode = #tpu.pipeline_mode<synchronous>, transform_indices = @transform_8, window_bounds = array<i64: 8, 36>}, {pipeline_mode = #tpu.pipeline_mode<synchronous>, transform_indices = @transform_9, window_bounds = array<i64: 36, 36>}, {pipeline_mode = #tpu.pipeline_mode<synchronous>, transform_indices = @transform_10, window_bounds = array<i64: 36, 36>}, {pipeline_mode = #tpu.pipeline_mode<synchronous>, transform_indices = @transform_11, window_bounds = array<i64: 36, 1>}, {transform_indices = @transform_12, window_bounds = array<i64: 4096, 128>}]} {
    %get3A = arith.constant 0 : index
    %get3A_0 = arith.constant 0 : index
    %get3A_1 = vector.load %arg1[%get3A, %get3A_0] : memref<4096x128xf32, #tpu.memory_space<vmem>>, vector<4096x48xf32>
    %get3A_2 = arith.constant 0 : index
    %get3A_3 = arith.constant 0 : index
    %get3A_4 = vector.load %arg2[%get3A_2, %get3A_3] : memref<4096x128xf32, #tpu.memory_space<vmem>>, vector<4096x48xf32>
    %get3A_5 = arith.constant 0 : index
    %get3A_6 = arith.constant 0 : index
    %get3A_7 = vector.load %arg3[%get3A_5, %get3A_6] : memref<3x4096xf32, #tpu.memory_space<vmem>>, vector<3x4096xf32>
    %get3A_8 = arith.constant 0 : index
    %get3A_9 = arith.constant 0 : index
    %get3A_10 = vector.load %arg9[%get3A_8, %get3A_9] : memref<8x36xf32, #tpu.memory_space<vmem>>, vector<8x36xf32>
    %sub3A = arith.subf %get3A_1, %get3A_4 : vector<4096x48xf32>
    %get3A_11 = arith.constant 0 : index
    %get3A_12 = arith.constant 0 : index
    %get3A_13 = vector.load %arg4[%get3A_11, %get3A_12] : memref<48x16xf32, #tpu.memory_space<vmem>>, vector<48x16xf32>
    %dot_general3A = arith.constant dense<0.000000e+00> : vector<4096x16xf32>
    %dot_general3A_14 = tpu.matmul %sub3A, %get3A_13, %dot_general3A {dimension_numbers = #tpu.dot_dimension_numbers<[1], [0], [0], [1], [0, 0, 1, 1], [], []>, transpose_lhs_hint = false} : vector<4096x48xf32>, vector<48x16xf32>, vector<4096x16xf32> -> vector<4096x16xf32>
    %mul3A = arith.mulf %dot_general3A_14, %dot_general3A_14 : vector<4096x16xf32>
    %reduce_sum3A = arith.constant dense<0.000000e+00> : vector<4096xf32>
    %reduce_sum3A_15 = vector.multi_reduction <add>, %mul3A, %reduce_sum3A [1] : vector<4096x16xf32> to vector<4096xf32>
    %broadcast_in_dim3A = vector.shape_cast %reduce_sum3A_15 : vector<4096xf32> to vector<4096x1xf32>
    %sqrt3A = math.sqrt %broadcast_in_dim3A : vector<4096x1xf32>
    %add3A = arith.constant 1.000000e+00 : f32
    %add3A_16 = vector.broadcast %add3A : f32 to vector<4096x1xf32>
    %add3A_17 = arith.addf %sqrt3A, %add3A_16 : vector<4096x1xf32>
    %div3A = vector.broadcast %add3A_17 : vector<4096x1xf32> to vector<4096x16xf32>
    %div3A_18 = arith.divf %dot_general3A_14, %div3A : vector<4096x16xf32>
    %get3A_19 = arith.constant 0 : index
    %get3A_20 = arith.constant 0 : index
    %get3A_21 = vector.load %arg6[%get3A_19, %get3A_20] : memref<48x36xf32, #tpu.memory_space<vmem>>, vector<48x36xf32>
    %dot_general3A_22 = arith.constant dense<0.000000e+00> : vector<4096x36xf32>
    %dot_general3A_23 = tpu.matmul %get3A_1, %get3A_21, %dot_general3A_22 {dimension_numbers = #tpu.dot_dimension_numbers<[1], [0], [0], [1], [0, 0, 1, 1], [], []>, transpose_lhs_hint = false} : vector<4096x48xf32>, vector<48x36xf32>, vector<4096x36xf32> -> vector<4096x36xf32>
    %get3A_24 = arith.constant 0 : index
    %get3A_25 = arith.constant 0 : index
    %get3A_26 = vector.load %arg7[%get3A_24, %get3A_25] : memref<48x36xf32, #tpu.memory_space<vmem>>, vector<48x36xf32>
    %dot_general3A_27 = arith.constant dense<0.000000e+00> : vector<4096x36xf32>
    %dot_general3A_28 = tpu.matmul %get3A_4, %get3A_26, %dot_general3A_27 {dimension_numbers = #tpu.dot_dimension_numbers<[1], [0], [0], [1], [0, 0, 1, 1], [], []>, transpose_lhs_hint = false} : vector<4096x48xf32>, vector<48x36xf32>, vector<4096x36xf32> -> vector<4096x36xf32>
    %add3A_29 = arith.addf %dot_general3A_23, %dot_general3A_28 : vector<4096x36xf32>
    %get3A_30 = arith.constant 0 : index
    %get3A_31 = arith.constant 0 : index
    %get3A_32 = vector.load %arg8[%get3A_30, %get3A_31] : memref<3x36xf32, #tpu.memory_space<vmem>>, vector<3x36xf32>
    %dot_general3A_33 = arith.constant dense<0.000000e+00> : vector<4096x36xf32>
    %dot_general3A_34 = tpu.matmul %get3A_7, %get3A_32, %dot_general3A_33 {dimension_numbers = #tpu.dot_dimension_numbers<[0], [0], [1], [1], [0, 1, 1, 1], [], []>, transpose_lhs_hint = false} : vector<3x4096xf32>, vector<3x36xf32>, vector<4096x36xf32> -> vector<4096x36xf32>
    %add3A_35 = arith.addf %add3A_29, %dot_general3A_34 : vector<4096x36xf32>
    %slice3A = vector.extract_strided_slice %get3A_10 {offsets = [0, 0], sizes = [1, 36], strides = [1, 1]} : vector<8x36xf32> to vector<1x36xf32>
    %mul3A_36 = vector.broadcast %broadcast_in_dim3A : vector<4096x1xf32> to vector<4096x36xf32>
    %mul3A_37 = vector.broadcast %slice3A : vector<1x36xf32> to vector<4096x36xf32>
    %mul3A_38 = arith.mulf %mul3A_36, %mul3A_37 : vector<4096x36xf32>
    %add3A_39 = arith.addf %add3A_35, %mul3A_38 : vector<4096x36xf32>
    %slice3A_40 = vector.extract_strided_slice %get3A_10 {offsets = [1, 0], sizes = [1, 36], strides = [1, 1]} : vector<8x36xf32> to vector<1x36xf32>
    %add3A_41 = vector.broadcast %slice3A_40 : vector<1x36xf32> to vector<4096x36xf32>
    %add3A_42 = arith.addf %add3A_39, %add3A_41 : vector<4096x36xf32>
    %neg3A = arith.constant 0.000000e+00 : f32
    %neg3A_43 = vector.broadcast %neg3A : f32 to vector<4096x36xf32>
    %neg3A_44 = arith.subf %neg3A_43, %add3A_42 : vector<4096x36xf32>
    %exp3A = math.exp %neg3A_44 : vector<4096x36xf32>
    %add3A_45 = arith.constant 1.000000e+00 : f32
    %add3A_46 = vector.broadcast %add3A_45 : f32 to vector<4096x36xf32>
    %add3A_47 = arith.addf %add3A_46, %exp3A : vector<4096x36xf32>
    %div3A_48 = arith.divf %add3A_42, %add3A_47 : vector<4096x36xf32>
    %get3A_49 = arith.constant 0 : index
    %get3A_50 = arith.constant 0 : index
    %get3A_51 = vector.load %arg10[%get3A_49, %get3A_50] : memref<36x36xf32, #tpu.memory_space<vmem>>, vector<36x36xf32>
    %dot_general3A_52 = arith.constant dense<0.000000e+00> : vector<4096x36xf32>
    %dot_general3A_53 = tpu.matmul %div3A_48, %get3A_51, %dot_general3A_52 {dimension_numbers = #tpu.dot_dimension_numbers<[1], [0], [0], [1], [0, 0, 1, 1], [], []>, transpose_lhs_hint = false} : vector<4096x36xf32>, vector<36x36xf32>, vector<4096x36xf32> -> vector<4096x36xf32>
    %slice3A_54 = vector.extract_strided_slice %get3A_10 {offsets = [2, 0], sizes = [1, 36], strides = [1, 1]} : vector<8x36xf32> to vector<1x36xf32>
    %add3A_55 = vector.broadcast %slice3A_54 : vector<1x36xf32> to vector<4096x36xf32>
    %add3A_56 = arith.addf %dot_general3A_53, %add3A_55 : vector<4096x36xf32>
    %neg3A_57 = arith.constant 0.000000e+00 : f32
    %neg3A_58 = vector.broadcast %neg3A_57 : f32 to vector<4096x36xf32>
    %neg3A_59 = arith.subf %neg3A_58, %add3A_56 : vector<4096x36xf32>
    %exp3A_60 = math.exp %neg3A_59 : vector<4096x36xf32>
    %add3A_61 = arith.constant 1.000000e+00 : f32
    %add3A_62 = vector.broadcast %add3A_61 : f32 to vector<4096x36xf32>
    %add3A_63 = arith.addf %add3A_62, %exp3A_60 : vector<4096x36xf32>
    %div3A_64 = arith.divf %add3A_56, %add3A_63 : vector<4096x36xf32>
    %get3A_65 = arith.constant 0 : index
    %get3A_66 = arith.constant 0 : index
    %get3A_67 = vector.load %arg11[%get3A_65, %get3A_66] : memref<36x36xf32, #tpu.memory_space<vmem>>, vector<36x36xf32>
    %dot_general3A_68 = arith.constant dense<0.000000e+00> : vector<4096x36xf32>
    %dot_general3A_69 = tpu.matmul %div3A_64, %get3A_67, %dot_general3A_68 {dimension_numbers = #tpu.dot_dimension_numbers<[1], [0], [0], [1], [0, 0, 1, 1], [], []>, transpose_lhs_hint = false} : vector<4096x36xf32>, vector<36x36xf32>, vector<4096x36xf32> -> vector<4096x36xf32>
    %slice3A_70 = vector.extract_strided_slice %get3A_10 {offsets = [3, 0], sizes = [1, 36], strides = [1, 1]} : vector<8x36xf32> to vector<1x36xf32>
    %add3A_71 = vector.broadcast %slice3A_70 : vector<1x36xf32> to vector<4096x36xf32>
    %add3A_72 = arith.addf %dot_general3A_69, %add3A_71 : vector<4096x36xf32>
    %neg3A_73 = arith.constant 0.000000e+00 : f32
    %neg3A_74 = vector.broadcast %neg3A_73 : f32 to vector<4096x36xf32>
    %neg3A_75 = arith.subf %neg3A_74, %add3A_72 : vector<4096x36xf32>
    %exp3A_76 = math.exp %neg3A_75 : vector<4096x36xf32>
    %add3A_77 = arith.constant 1.000000e+00 : f32
    %add3A_78 = vector.broadcast %add3A_77 : f32 to vector<4096x36xf32>
    %add3A_79 = arith.addf %add3A_78, %exp3A_76 : vector<4096x36xf32>
    %div3A_80 = arith.divf %add3A_72, %add3A_79 : vector<4096x36xf32>
    %get3A_81 = arith.constant 0 : index
    %get3A_82 = arith.constant 0 : index
    %get3A_83 = vector.load %arg12[%get3A_81, %get3A_82] : memref<36x1xf32, #tpu.memory_space<vmem>>, vector<36x1xf32>
    %dot_general3A_84 = arith.constant dense<0.000000e+00> : vector<4096x1xf32>
    %dot_general3A_85 = tpu.matmul %div3A_80, %get3A_83, %dot_general3A_84 {dimension_numbers = #tpu.dot_dimension_numbers<[1], [0], [0], [1], [0, 0, 1, 1], [], []>, transpose_lhs_hint = false} : vector<4096x36xf32>, vector<36x1xf32>, vector<4096x1xf32> -> vector<4096x1xf32>
    %mul3A_86 = vector.broadcast %dot_general3A_85 : vector<4096x1xf32> to vector<4096x16xf32>
    %mul3A_87 = arith.mulf %div3A_18, %mul3A_86 : vector<4096x16xf32>
    %jit3A = arith.constant -1.000000e+02 : f32
    %jit3A_88 = arith.constant 1.000000e+02 : f32
    %max3A = vector.broadcast %jit3A : f32 to vector<4096x16xf32>
    %max3A_89 = arith.maximumf %max3A, %mul3A_87 : vector<4096x16xf32>
    %min3A = vector.broadcast %jit3A_88 : f32 to vector<4096x16xf32>
    %min3A_90 = arith.minimumf %min3A, %max3A_89 : vector<4096x16xf32>
    %get3A_91 = arith.constant 0 : index
    %get3A_92 = arith.constant 0 : index
    %get3A_93 = vector.load %arg5[%get3A_91, %get3A_92] : memref<8x16xf32, #tpu.memory_space<vmem>>, vector<1x16xf32>
    %add3A_94 = vector.broadcast %get3A_93 : vector<1x16xf32> to vector<4096x16xf32>
    %add3A_95 = arith.addf %min3A_90, %add3A_94 : vector<4096x16xf32>
    %swap3A = arith.constant 0 : index
    %swap3A_96 = arith.constant 0 : index
    %swap3A_97 = vector.load %arg13[%swap3A, %swap3A_96] : memref<4096x128xf32, #tpu.memory_space<vmem>>, vector<4096x16xf32>
    tpu.vector_store %arg13[%swap3A, %swap3A_96], %add3A_95 {strides = array<i32>} : memref<4096x128xf32, #tpu.memory_space<vmem>>, vector<4096x16xf32>,
    return
  }
  func.func @transform_0(%arg0: i32) -> (i32, i32) {
    %c0_i32 = arith.constant 0 : i32
    %c0_i32_0 = arith.constant 0 : i32
    return %arg0, %c0_i32 : i32, i32
  }
  func.func @transform_1(%arg0: i32) -> (i32, i32) {
    %add3A = arith.constant 10 : i32
    %add3A_0 = arith.addi %arg0, %add3A : i32
    %c0_i32 = arith.constant 0 : i32
    %c0_i32_1 = arith.constant 0 : i32
    return %add3A_0, %c0_i32 : i32, i32
  }
  func.func @transform_2(%arg0: i32) -> (i32, i32) {
    %c0_i32 = arith.constant 0 : i32
    %c0_i32_0 = arith.constant 0 : i32
    return %c0_i32, %arg0 : i32, i32
  }
  func.func @transform_3(%arg0: i32) -> (i32, i32) {
    %c0_i32 = arith.constant 0 : i32
    %c0_i32_0 = arith.constant 0 : i32
    %c0_i32_1 = arith.constant 0 : i32
    return %c0_i32, %c0_i32_0 : i32, i32
  }
  func.func @transform_4(%arg0: i32) -> (i32, i32) {
    %c0_i32 = arith.constant 0 : i32
    %c0_i32_0 = arith.constant 0 : i32
    %c0_i32_1 = arith.constant 0 : i32
    return %c0_i32, %c0_i32_0 : i32, i32
  }
  func.func @transform_5(%arg0: i32) -> (i32, i32) {
    %c0_i32 = arith.constant 0 : i32
    %c0_i32_0 = arith.constant 0 : i32
    %c0_i32_1 = arith.constant 0 : i32
    return %c0_i32, %c0_i32_0 : i32, i32
  }
  func.func @transform_6(%arg0: i32) -> (i32, i32) {
    %c0_i32 = arith.constant 0 : i32
    %c0_i32_0 = arith.constant 0 : i32
    %c0_i32_1 = arith.constant 0 : i32
    return %c0_i32, %c0_i32_0 : i32, i32
  }
  func.func @transform_7(%arg0: i32) -> (i32, i32) {
    %c0_i32 = arith.constant 0 : i32
    %c0_i32_0 = arith.constant 0 : i32
    %c0_i32_1 = arith.constant 0 : i32
    return %c0_i32, %c0_i32_0 : i32, i32
  }
  func.func @transform_8(%arg0: i32) -> (i32, i32) {
    %c0_i32 = arith.constant 0 : i32
    %c0_i32_0 = arith.constant 0 : i32
    %c0_i32_1 = arith.constant 0 : i32
    return %c0_i32, %c0_i32_0 : i32, i32
  }
  func.func @transform_9(%arg0: i32) -> (i32, i32) {
    %c0_i32 = arith.constant 0 : i32
    %c0_i32_0 = arith.constant 0 : i32
    %c0_i32_1 = arith.constant 0 : i32
    return %c0_i32, %c0_i32_0 : i32, i32
  }
  func.func @transform_10(%arg0: i32) -> (i32, i32) {
    %c0_i32 = arith.constant 0 : i32
    %c0_i32_0 = arith.constant 0 : i32
    %c0_i32_1 = arith.constant 0 : i32
    return %c0_i32, %c0_i32_0 : i32, i32
  }
  func.func @transform_11(%arg0: i32) -> (i32, i32) {
    %c0_i32 = arith.constant 0 : i32
    %c0_i32_0 = arith.constant 0 : i32
    %c0_i32_1 = arith.constant 0 : i32
    return %c0_i32, %c0_i32_0 : i32, i32
  }
  func.func @transform_12(%arg0: i32) -> (i32, i32) {
    %c0_i32 = arith.constant 0 : i32
    %c0_i32_0 = arith.constant 0 : i32
    return %arg0, %c0_i32 : i32, i32
  }
}

module attributes {stable_mosaic.version = 14 : i64} {
  func.func @_comb_body(%arg0: memref<2x5120x128xf32, #tpu.memory_space<vmem>>, %arg1: memref<5120x8xf32, #tpu.memory_space<vmem>>, %arg2: memref<16x3xf32, #tpu.memory_space<vmem>>, %arg3: memref<16x1xf32, #tpu.memory_space<vmem>>, %arg4: memref<8x3xf32, #tpu.memory_space<vmem>>, %arg5: memref<5000x3xf32, #tpu.memory_space<vmem>>) attributes {dimension_semantics = [], scalar_prefetch = 0 : i64, scratch_operands = 0 : i64, tpu.core_type = #tpu.core_type<tc>} {
    %get3A = arith.constant 0 : index
    %get3A_0 = arith.constant 0 : index
    %get3A_1 = arith.constant 0 : index
    %get3A_2 = vector.load %arg0[%get3A, %get3A_0, %get3A_1] : memref<2x5120x128xf32, #tpu.memory_space<vmem>>, vector<1x5120x128xf32>
    %get3A_3 = vector.shape_cast %get3A_2 : vector<1x5120x128xf32> to vector<5120x128xf32>
    %get3A_4 = arith.constant 1 : index
    %get3A_5 = arith.constant 0 : index
    %get3A_6 = arith.constant 0 : index
    %get3A_7 = vector.load %arg0[%get3A_4, %get3A_5, %get3A_6] : memref<2x5120x128xf32, #tpu.memory_space<vmem>>, vector<1x5120x128xf32>
    %get3A_8 = vector.shape_cast %get3A_7 : vector<1x5120x128xf32> to vector<5120x128xf32>
    %add3A = arith.addf %get3A_3, %get3A_8 : vector<5120x128xf32>
    %slice3A = vector.extract_strided_slice %add3A {offsets = [0, 0], sizes = [5000, 16], strides = [1, 1]} : vector<5120x128xf32> to vector<5000x16xf32>
    %get3A_9 = arith.constant 0 : index
    %get3A_10 = arith.constant 0 : index
    %get3A_11 = vector.load %arg2[%get3A_9, %get3A_10] : memref<16x3xf32, #tpu.memory_space<vmem>>, vector<16x3xf32>
    %dot_general3A = arith.constant dense<0.000000e+00> : vector<5000x3xf32>
    %dot_general3A_12 = tpu.matmul %slice3A, %get3A_11, %dot_general3A {dimension_numbers = #tpu.dot_dimension_numbers<[1], [0], [0], [1], [0, 0, 1, 1], [], []>, transpose_lhs_hint = false} : vector<5000x16xf32>, vector<16x3xf32>, vector<5000x3xf32> -> vector<5000x3xf32>
    %get3A_13 = arith.constant 0 : index
    %get3A_14 = arith.constant 0 : index
    %get3A_15 = vector.load %arg3[%get3A_13, %get3A_14] : memref<16x1xf32, #tpu.memory_space<vmem>>, vector<16x1xf32>
    %dot_general3A_16 = arith.constant dense<0.000000e+00> : vector<5000x1xf32>
    %dot_general3A_17 = tpu.matmul %slice3A, %get3A_15, %dot_general3A_16 {dimension_numbers = #tpu.dot_dimension_numbers<[1], [0], [0], [1], [0, 0, 1, 1], [], []>, transpose_lhs_hint = false} : vector<5000x16xf32>, vector<16x1xf32>, vector<5000x1xf32> -> vector<5000x1xf32>
    %get3A_18 = arith.constant 0 : index
    %get3A_19 = arith.constant 0 : index
    %get3A_20 = vector.load %arg1[%get3A_18, %get3A_19] : memref<5120x8xf32, #tpu.memory_space<vmem>>, vector<5000x8xf32>
    %get3A_21 = arith.constant 0 : index
    %get3A_22 = arith.constant 0 : index
    %get3A_23 = vector.load %arg4[%get3A_21, %get3A_22] : memref<8x3xf32, #tpu.memory_space<vmem>>, vector<8x3xf32>
    %dot_general3A_24 = arith.constant dense<0.000000e+00> : vector<5000x3xf32>
    %dot_general3A_25 = tpu.matmul %get3A_20, %get3A_23, %dot_general3A_24 {dimension_numbers = #tpu.dot_dimension_numbers<[1], [0], [0], [1], [0, 0, 1, 1], [], []>, transpose_lhs_hint = false} : vector<5000x8xf32>, vector<8x3xf32>, vector<5000x3xf32> -> vector<5000x3xf32>
    %max3A = arith.constant 1.000000e+00 : f32
    %max3A_26 = vector.broadcast %max3A : f32 to vector<5000x1xf32>
    %max3A_27 = arith.maximumf %dot_general3A_17, %max3A_26 : vector<5000x1xf32>
    %div3A = vector.broadcast %max3A_27 : vector<5000x1xf32> to vector<5000x3xf32>
    %div3A_28 = arith.divf %dot_general3A_12, %div3A : vector<5000x3xf32>
    %add3A_29 = arith.addf %dot_general3A_25, %div3A_28 : vector<5000x3xf32>
    %swap3A = arith.constant 0 : index
    %swap3A_30 = arith.constant 0 : index
    %swap3A_31 = vector.load %arg5[%swap3A, %swap3A_30] : memref<5000x3xf32, #tpu.memory_space<vmem>>, vector<5000x3xf32>
    tpu.vector_store %arg5[%swap3A, %swap3A_30], %add3A_29 {strides = array<i32>} : memref<5000x3xf32, #tpu.memory_space<vmem>>, vector<5000x3xf32>,
    return
  }
}

</mosaic_0001>

<sc_bundles>
// kernel: kernel.10.cloned.1.call-start
scs
__scs_entry_jumppad:
0x0: {  	(pc) =	sbr.rel $0x88, $3  }
0x1: {  	(tag) =	ssettag $0x0;
	lr =	simm.s32 $0x1  }
0x2: {  	[smem:$0x3F93] =	sst lr;
	_ =	strace $0xD0000000  }
0x3: {  	_ = 	snop  }
0x4: {  	_ = 	snop  }
0x5: {  	_ = 	snop  }
0x6: {  	_ = 	snop  }
0x7: {  	_ = 	snop  }
__scs_overlays_trampoline_lowered:
0x8: {  	[smem:$0x3FA2] =	sst s0  }
0x9: {  	[smem:$0x3FA3] =	sst s1  }
0xa: {  	[smem:$0x3FA4] =	sst s2  }
0xb: {  	[smem:$0x3FA5] =	sst s3  }
0xc: {  	[smem:$0x3FA6] =	sst s4  }
0xd: {  	[smem:$0x3FA7] =	sst s5  }
0xe: {  	[smem:$0x3FA8] =	sst s6  }
0xf: {  	[smem:$0x3FA9] =	sst s7  }
0x10: {  	[smem:$0x3FAA] =	sst s8  }
0x11: {  	[smem:$0x3FAB] =	sst s9;
	s0 =	simm.s32 @!p0 $0x0  }
0x12: {  	s1 =	sld [smem:$0x3F91];
	s0 =	simm.s32 @p0 $0x1  }
0x13: {  	[smem:$0x3FAC] =	sst s0;
	s0 =	simm.s32 @!p1 $0x0  }
0x14: {  	s2 =	sld [smem:$0x3F90];
	s0 =	simm.s32 @p1 $0x1  }
0x15: {  	[smem:$0x3FAD] =	sst s0;
	s0 =	simm.s32 @!p2 $0x0  }
0x16: {  	s3 =	sld [smem:$0x3FDB];
	s0 =	simm.s32 @p2 $0x1  }
0x17: {  	s4 =	simm.s32 $0x1BF5;
	[smem:$0x3FAF] =	sst s0  }
0x18: {  	s0 =	sld [smem:$0x3F92];
	_ =	swait.ge [sflag:s4], $0x0  }
0x19: {  	s7 =	sld [smem:$0x3F93]  }
0x1a: {  	s8 =	sadd.s32 $0xFFFFE003, lr  }
0x1b: {  	s9 =	sadd.s32 $0xFFFFFEF7, lr;
	s5 =	simm.s32 $0xFFFFFFFF;
	p2 =	slt.u32 s8, $0xFFFFF086  }
0x1c: {  	p1 =	slt.u32 s9, $0xF7A;
	s5 =	simm.s32 @!p2 $0x0  }
0x1d: {  	s5 =	simm.s32 @p1 $0x1;
	p0 =	seq.s32 s7, s2  }
0x1e: {  	s7 =	smul.u32 @!p0 $0xF7A, s2;
	p2 =	seq.s32 @!p0 s5, $0x0  }
0x1f: {  	s9 =	smul.u32 $0xF7A, s1;
	s8 =	simm.s32 @!p0 $0x1BF5;
	p2 =	por !p2, p0  }
0x20: {  	[sflag:s8] =	ssyncset.s32 @!p0 $0xFFFFF086;
	s6 =	sadd.s32 @!p0 s3, s7;
	s7 =	simm.s32 @!p0 $0x108  }
0x21: {  	s3 =	sadd.s32 s3, s9;
	s6 =	sadd.s32 @!p0 $0x88, s6;
	s7 =	simm.s32 @p2 $0x1082  }
0x22: {  	[simem:s7], [sflag:s8] =	dma.local @!p0 [hbm:s6], $0xF7A  }
0x23: {  	s9 =	sor.u32 $0xD0000000, s2;
	s6 =	simm.s32 $0x108;
	_ =	swait.ge @!p0 [sflag:s8], $0x0  }
0x24: {  	s3 =	sadd.s32 $0x88, s3;
	s6 =	simm.s32 @!p1 $0x1082;
	[sflag:s4] =	ssyncset.s32 $0xFFFFF086  }
0x25: {  	[simem:s6], [sflag:s4] =	dma.local [hbm:s3], $0xF7A  }
0x26: {  	[smem:$0x3F93] =	sst s1;
	(tag) =	ssettag s2;
	_ =	strace s9  }
0x27: {  	s1 =	sld [smem:$0x3FA3]  }
0x28: {  	s2 =	sld [smem:$0x3FA4]  }
0x29: {  	s4 =	sld [smem:$0x3FA6]  }
0x2a: {  	p0 =	seq.s32 s5, $0x0;
	s5 =	sld [smem:$0x3FA7]  }
0x2b: {  	s6 =	sld [smem:$0x3FA8]  }
0x2c: {  	s7 =	sld [smem:$0x3FA9]  }
0x2d: {  	s3 =	simm.s32 $0x108;
	s8 =	sld [smem:$0x3FAA]  }
0x2e: {  	s3 =	simm.s32 @!p0 $0x1082;
	s9 =	sld [smem:$0x3FAB]  }
0x2f: {  	lr =	sadd.s32 s0, s3;
	s0 =	sld [smem:$0x3FA2]  }
0x30: {  	s3 =	sld [smem:$0x3FA5]  }
0x31: {  	[smem:$0x3FAE] =	sst s10  }
0x32: {  	s10 =	sld [smem:$0x3FAC];
	_ =	sdelay $0x3  }
0x33: {  	p0 =	seq.s32 s10, $0x1;
	s10 =	sld [smem:$0x3FAE];
	_ =	sdelay $0x3  }
0x34: {  	[smem:$0x3FAE] =	sst s10  }
0x35: {  	s10 =	sld [smem:$0x3FAD];
	_ =	sdelay $0x3  }
0x36: {  	p1 =	seq.s32 s10, $0x1;
	s10 =	sld [smem:$0x3FAE];
	_ =	sdelay $0x3  }
0x37: {  	[smem:$0x3FAE] =	sst s10  }
0x38: {  	s10 =	sld [smem:$0x3FAF]  }
0x39: {  	_ = 	snop;
	(pc) =	sbr.ind lr, $3  }
0x3a: {  	_ = 	snop  }
0x3b: {  	_ = 	snop  }
0x3c: {  	p2 =	seq.s32 s10, $0x1;
	s10 =	sld [smem:$0x3FAE]  }
0x3d: {  	_ =	shalt  }
0x3e: {  	_ =	shalt  }
0x3f: {  	_ =	shalt  }
0x40: {  	_ =	shalt  }
0x41: {  	_ =	shalt  }
0x42: {  	_ =	shalt  }
0x43: {  	_ =	shalt  }
0x44: {  	_ =	shalt  }
0x45: {  	_ =	shalt  }
0x46: {  	_ =	shalt  }
0x47: {  	_ =	shalt  }
0x48: {  	_ =	shalt  }
0x49: {  	_ =	shalt  }
0x4a: {  	_ =	shalt  }
0x4b: {  	_ =	shalt  }
0x4c: {  	_ =	shalt  }
0x4d: {  	_ =	shalt  }
0x4e: {  	_ =	shalt  }
0x4f: {  	_ =	shalt  }
0x50: {  	_ =	shalt  }
0x51: {  	_ =	shalt  }
0x52: {  	_ =	shalt  }
0x53: {  	_ =	shalt  }
0x54: {  	_ =	shalt  }
0x55: {  	_ =	shalt  }
0x56: {  	_ =	shalt  }
0x57: {  	_ =	shalt  }
0x58: {  	_ =	shalt  }
0x59: {  	_ =	shalt  }
0x5a: {  	_ =	shalt  }
0x5b: {  	_ =	shalt  }
0x5c: {  	_ =	shalt  }
0x5d: {  	_ =	shalt  }
0x5e: {  	_ =	shalt  }
0x5f: {  	_ =	shalt  }
0x60: {  	_ =	shalt  }
0x61: {  	_ =	shalt  }
0x62: {  	_ =	shalt  }
0x63: {  	_ =	shalt  }
0x64: {  	_ =	shalt  }
0x65: {  	_ =	shalt  }
0x66: {  	_ =	shalt  }
0x67: {  	_ =	shalt  }
0x68: {  	_ =	shalt  }
0x69: {  	_ =	shalt  }
0x6a: {  	_ =	shalt  }
0x6b: {  	_ =	shalt  }
0x6c: {  	_ =	shalt  }
0x6d: {  	_ =	shalt  }
0x6e: {  	_ =	shalt  }
0x6f: {  	_ =	shalt  }
0x70: {  	_ =	shalt  }
0x71: {  	_ =	shalt  }
0x72: {  	_ =	shalt  }
0x73: {  	_ =	shalt  }
0x74: {  	_ =	shalt  }
0x75: {  	_ =	shalt  }
0x76: {  	_ =	shalt  }
0x77: {  	_ =	shalt  }
0x78: {  	_ =	shalt  }
0x79: {  	_ =	shalt  }
0x7a: {  	_ =	shalt  }
0x7b: {  	_ =	shalt  }
0x7c: {  	_ =	shalt  }
0x7d: {  	_ =	shalt  }
0x7e: {  	_ =	shalt  }
0x7f: {  	_ =	shalt  }
0x80: {  	_ =	shalt  }
0x81: {  	_ =	shalt  }
0x82: {  	_ =	shalt  }
0x83: {  	_ =	shalt  }
0x84: {  	_ =	shalt  }
0x85: {  	_ =	shalt  }
0x86: {  	_ =	shalt  }
0x87: {  	_ =	shalt  }
.Lfunc_end0:
.L_simem_size_0:
called_computation.1_lowered:
.L_overlay_start_0:
0x88: {  	s2 =	sld [smem:$0x3FD9]  }
0x89: {  	s3 =	sld [smem:$0x3FFE];
	_ =	sdelay $0x1  }
0x8a: {  	s1 =	srdreg.scid  }
0x8b: {  	s0 =	sand.u32 $0x1, s1  }
0x8c: {  	s16 =	sshll.u32 s0, $0xA;
	s2 =	sadd.s32 s3, s2  }
0x8d: {  	s2 =	sadd.s32 s2, s16  }
0x8e: {  	[smem:$0x3FBA] =	sst s2  }
0x8f: {  	_ = 	snop  }
0x90: {  	(tm) =	ssettm $0x1  }
0x91: {  	s17 =	sld [smem:$0x3FFB];
	_ =	sdelay $0x3  }
0x92: {  	_ =	strace s17  }
0x93: {  	s2 =	sld [smem:$0x3FFC];
	_ =	sdelay $0x3  }
0x94: {  	_ =	strace s2  }
0x95: {  	s2 =	sld [smem:$0x3FFD];
	_ =	sdelay $0x3  }
0x96: {  	_ =	strace s2  }
0x97: {  	_ =	strace $0x8FFFFFFF  }
0x98: {  	s18 =	sld [smem:$0x3FDB];
	_ =	sdelay $0x1  }
0x99: {  	s19 =	simm.s32 $_scs_section_size  }
0x9a: {  	s4 =	simm.s32 $_size__tile_overlayer_lowered;
	s5 =	simm.s32 $_tile_overlayer_lowered  }
0x9b: {  	s22 =	simm.s32 $0x1BFF;
	s21 =	sshll.u32 s5, $0x1;
	s2 =	sadd.s32 s19, s18  }
0x9c: {  	s6 =	simm.s32 $0x0;
	s20 =	sshll.u32 s4, $0x1;
	s4 =	sadd.s32 s21, s2  }
0x9d: {  	[timem:s6], [sflag:s22] =	dma.local [hbm:s4], s20  }
0x9e: {  	_ =	swait.ge [sflag:s22], s20  }
0x9f: {  	s3 =	ssub.s32 $0x0, s20;
	[sflag:s22] =	ssyncset.done $0x0  }
0xa0: {  	[sflag:s22] =	ssyncadd.s32 s3;
	_ =	sdelay $0x1  }
0xa1: {  	s23 =	simm.s32 $0x1B8B  }
0xa2: {  	_ =	swait.ge [sflag:s23], $0x1  }
0xa3: {  	[sflag:s23] =	ssyncset.done $0x0  }
0xa4: {  	s25 =	simm.s32 $0x1B8E;
	s24 =	sld [smem:$0x3FFE];
	[sflag:s23] =	ssyncadd.s32 $0xFFFFFFFF  }
0xa5: {  	s26 =	simm.s32 $execute0_lowered;
	[smem:$0x3FD2] =	sst s25  }
0xa6: {  	s4 =	sshll.u32 s26, $0x1;
	_ =	strace $0x80000049;
	[dreg:$0x1] =	wrdreg $0xFFFFFFFF  }
0xa7: {  	s28 =	simm.s32 $_size_execute0_lowered;
	s2 =	sadd.s32 s2, s4;
	[dreg:$0x0] =	wrdreg $0x0  }
0xa8: {  	s4 =	sshll.u32 s28, $0x1;
	[dreg:$0x2] =	wrdreg s2  }
0xa9: {  	[dreg:$0x3] =	wrdreg s4  }
0xaa: {  	[dreg:$0x4] =	wrdreg $0xC0  }
0xab: {  	_ =	task [dreg:s6], $0x5FFFF  }
0xac: {  	[dreg:$0x1] =	wrdreg $0xFFFFFFFF  }
0xad: {  	[dreg:$0x0] =	wrdreg $0x60  }
0xae: {  	[dreg:$0x2] =	wrdreg s24  }
0xaf: {  	[dreg:$0x3] =	wrdreg $0x58000  }
0xb0: {  	[dreg:$0x4] =	wrdreg $0x9  }
0xb1: {  	_ =	task.clear_ibuf [dreg:s6], $0x5FFFF;
	_ =	strace $0x90000049  }
0xb2: {  	s29 =	simm.s32 $0x9;
	_ =	strace $0x8000004B  }
0xb3: {  	_ =	swait.ge [sflag:s29], $0x1  }
0xb4: {  	[sflag:s29] =	ssyncadd.s32 $0xFFFFFFFF  }
0xb5: {  	_ =	strace $0x9000004B  }
0xb6: {  	_ =	sfence  }
0xb7: {  	s30 =	sld [smem:$0x0];
	_ =	sdelay $0x2  }
0xb8: {  	s31 =	sshll.u32 s1, $0xD;
	s1 =	sshrl.u32 s1, $0x2  }
0xb9: {  	s3 =	sand.u32 $0x4000, s31;
	s1 =	sadd.s32 s1, s30  }
0xba: {  	s0 =	sor.u32 s3, s0;
	s1 =	sshll.u32 s1, $0x11  }
0xbb: {  	s0 =	sor.u32 s1, s0  }
0xbc: {  	s0 =	sadd.s32 $0x8F2B, s0  }
0xbd: {  	[sflag:s0] =	ssyncadd.remote.s32 $0x1  }
0xbe: {  	_ =	sfence.sel $0xFFFF  }
0xbf: {  	[dreg:$0x0] =	wrdreg $0xFFFFFFFF;
	(pc) =	sbr.abs _section_cstart, $3  }
0xc0: {  	[dreg:$0x1] =	wrdreg $0xFFFFFFFF  }
0xc1: {  	_ =	task.clear_ibuf [dreg:s6], $0x2FFFF;
	_ =	strace $0x9FFFFFFF  }
0xc2: {  	(tm) =	ssettm $0x7FFFFFFF  }
0xc3: {  	_ =	shalt  }
tec
execute0_lowered:
.L_overlay_start_1:
0x0: {  	(tag) =	ssettag $0x1  }
0x1: {  	s28 =	rddreg [dreg:$0x0]  }
0x2: {  	s1 =	rddreg [dreg:$0x1]  }
0x3: {  	s3 =	srdreg.scid;
	s4 =	stileid.u32  }
0x4: {  	s2 =	simm.s32 $0x0;
	s29 =	sand.u32 $0x1, s3;
	s26 =	sshll.u32 s4, $0x1  }
0x5: {  	[smem:$0x7FF] =	sst s2;
	s6 =	sadd.s32 $0x2400, s28;
	s3 =	sor.u32 s29, s26  }
0x6: {  	p0 =	sne.s32 s4, $0x0;
	s5 =	sshll.u32 s3, $0x8;
	s3 =	smul.u32 $0x5000, s3  }
0x7: {  	_ =	strace $0x8000004A;
	[dreg:$0x3] =	wrdreg s6;
	s5 =	sadd.s32 s5, s28  }
0x8: {  	s6 =	rddreg [dreg:$0x3];
	s5 =	sadd.s32 $0x9C00, s5;
	s3 =	sadd.s32 s3, s28  }
0x9: {  	s4 =	sshrl.u32 @!p0 s1, $0x3;
	[dreg:$0x4] =	wrdreg s5;
	s3 =	sadd.s32 $0xBC00, s3  }
0xa: {  	s5 =	simm.s32 @!p0 $0x1C01;
	[dreg:$0x5] =	wrdreg s3;
	s3 =	simm.s32 @!p0 $0x1  }
0xb: {  	[spmem:s4], [sflag:s5] =	dma.local @!p0 [hbm:s6], $0x2800  }
0xc: {  	_ =	swait.ge @!p0 [sflag:s3], $0x2800  }
0xd: {  	[sflag:s3] =	ssyncset.done @!p0 $0x0  }
0xe: {  	[sflag:s3] =	ssyncadd.s32 @!p0 $0xFFFFD800  }
0xf: {  	[bflag:$0x0] =	sbarrier.arrive $0xFFFF  }
0x10: {  	s6 =	simm.s32 $0x1;
	s7 =	rddreg [dreg:$0x4]  }
0x11: {  	[tilespmem:s2], [sflag:$0x1] =	stream.linear.gather [hbm4b:s7+s2], $0x800, $0x38;
	[tilespmem:$0x6C00] =	vst v63  }
0x12: {  	_ =	swait.ge [sflag:s6], $0x800  }
0x13: {  	s8 =	simm.s32 $0x80;
	s9 =	simm.s32 $0x800;
	[sflag:s6] =	ssyncset.done $0x0  }
0x14: {  	s7 =	simm.s32 $0x10;
	s10 =	rddreg [dreg:$0x5];
	[sflag:s6] =	ssyncadd.s32 $0xFFFFF800  }
0x15: {  	[tilespmem:s9], [sflag:$0x1] =	stream.strided.gather [hbm4b:s10+s7], $0x5000, s8, s7, $0x38;
	[tilespmem:$0x6C00] =	vst v63  }
0x16: {  	_ =	swait.ge [sflag:s6], $0x5000  }
0x17: {  	[sflag:s6] =	ssyncset.done $0x0  }
0x18: {  	[sflag:s6] =	ssyncadd.s32 $0xFFFFB000  }
0x19: {  	[spmem:s1] =	stream.indirect.scatter.add.f32 [tilespmem:s9], [sflag:$0x1], $0x10, s2, s8, $0xb8;
	[tilespmem:$0x6C00] =	vst v63  }
0x1a: {  	_ =	swait.ge [sflag:s6], $0x800  }
0x1b: {  	[sflag:s6] =	ssyncset.done $0x0  }
0x1c: {  	s10 =	simm.s32 $0x1000;
	[sflag:s6] =	ssyncadd.s32 $0xFFFFF800  }
0x1d: {  	[spmem:s1] =	stream.indirect.scatter.add.f32 [tilespmem:s10], [sflag:$0x1], $0x10, s8, s8, $0xb8;
	[tilespmem:$0x6C00] =	vst v63  }
0x1e: {  	_ =	swait.ge [sflag:s6], $0x800  }
0x1f: {  	[sflag:s6] =	ssyncset.done $0x0  }
0x20: {  	s11 =	simm.s32 $0x100;
	s12 =	simm.s32 $0x1800;
	[sflag:s6] =	ssyncadd.s32 $0xFFFFF800  }
0x21: {  	[spmem:s1] =	stream.indirect.scatter.add.f32 [tilespmem:s12], [sflag:$0x1], $0x10, s11, s8, $0xb8;
	[tilespmem:$0x6C00] =	vst v63  }
0x22: {  	_ =	swait.ge [sflag:s6], $0x800  }
0x23: {  	[sflag:s6] =	ssyncset.done $0x0  }
0x24: {  	s13 =	simm.s32 $0x180;
	s14 =	simm.s32 $0x2000;
	[sflag:s6] =	ssyncadd.s32 $0xFFFFF800  }
0x25: {  	[spmem:s1] =	stream.indirect.scatter.add.f32 [tilespmem:s14], [sflag:$0x1], $0x10, s13, s8, $0xb8;
	[tilespmem:$0x6C00] =	vst v63  }
0x26: {  	_ =	swait.ge [sflag:s6], $0x800  }
0x27: {  	[sflag:s6] =	ssyncset.done $0x0  }
0x28: {  	s15 =	simm.s32 $0x200;
	s16 =	simm.s32 $0x2800;
	[sflag:s6] =	ssyncadd.s32 $0xFFFFF800  }
0x29: {  	[spmem:s1] =	stream.indirect.scatter.add.f32 [tilespmem:s16], [sflag:$0x1], $0x10, s15, s8, $0xb8;
	[tilespmem:$0x6C00] =	vst v63  }
0x2a: {  	_ =	swait.ge [sflag:s6], $0x800  }
0x2b: {  	[sflag:s6] =	ssyncset.done $0x0  }
0x2c: {  	s17 =	simm.s32 $0x280;
	s18 =	simm.s32 $0x3000;
	[sflag:s6] =	ssyncadd.s32 $0xFFFFF800  }
0x2d: {  	[spmem:s1] =	stream.indirect.scatter.add.f32 [tilespmem:s18], [sflag:$0x1], $0x10, s17, s8, $0xb8;
	[tilespmem:$0x6C00] =	vst v63  }
0x2e: {  	_ =	swait.ge [sflag:s6], $0x800  }
0x2f: {  	[sflag:s6] =	ssyncset.done $0x0  }
0x30: {  	s19 =	simm.s32 $0x300;
	s20 =	simm.s32 $0x3800;
	[sflag:s6] =	ssyncadd.s32 $0xFFFFF800  }
0x31: {  	[spmem:s1] =	stream.indirect.scatter.add.f32 [tilespmem:s20], [sflag:$0x1], $0x10, s19, s8, $0xb8;
	[tilespmem:$0x6C00] =	vst v63  }
0x32: {  	_ =	swait.ge [sflag:s6], $0x800  }
0x33: {  	[sflag:s6] =	ssyncset.done $0x0  }
0x34: {  	s21 =	simm.s32 $0x380;
	s22 =	simm.s32 $0x4000;
	[sflag:s6] =	ssyncadd.s32 $0xFFFFF800  }
0x35: {  	[spmem:s1] =	stream.indirect.scatter.add.f32 [tilespmem:s22], [sflag:$0x1], $0x10, s21, s8, $0xb8;
	[tilespmem:$0x6C00] =	vst v63  }
0x36: {  	s23 =	simm.s32 $0x400;
	_ =	swait.ge [sflag:s6], $0x800  }
0x37: {  	s24 =	simm.s32 $0x4800;
	s30 =	ssub.s32 $0x2, s29;
	[sflag:s6] =	ssyncset.done $0x0  }
0x38: {  	s29 =	smul.u32 $0x14000, s29;
	s31 =	sshrl.u32 s30, $0x1;
	[sflag:s6] =	ssyncadd.s32 $0xFFFFF800  }
0x39: {  	[spmem:s1] =	stream.indirect.scatter.add.f32 [tilespmem:s24], [sflag:$0x1], $0x10, s23, s8, $0xb8;
	[tilespmem:$0x6C00] =	vst v63  }
0x3a: {  	s25 =	simm.s32 $0x480;
	s30 =	ssub.s32 s30, s31;
	_ =	swait.ge [sflag:s6], $0x800  }
0x3b: {  	s28 =	sadd.s32 s29, s28;
	s29 =	smax.u32 s30, $0x1;
	[sflag:s6] =	ssyncset.done $0x0  }
0x3c: {  	s26 =	simm.s32 $0x5000;
	s29 =	sadd.s32 $0xFFFFFFFF, s29;
	[sflag:s6] =	ssyncadd.s32 $0xFFFFF800  }
0x3d: {  	[spmem:s1] =	stream.indirect.scatter.add.f32 [tilespmem:s26], [sflag:$0x1], $0x10, s25, s8, $0xb8;
	[tilespmem:$0x6C00] =	vst v63  }
0x3e: {  	p1 =	sne.s32 s29, $0x0;
	_ =	swait.ge [sflag:s6], $0x800  }
.Ltmp0:
0x3f: {  	[sflag:s6] =	ssyncset.done $0x0;
	(pc) =	sbr.rel @!p1 .LBB2_2-.Ltmp0, $4  }
0x40: {  	s31 =	simm.s32 @!p0 $0x2;
	[sflag:s6] =	ssyncadd.s32 $0xFFFFF800  }
0x41: {  	s30 =	simm.s32 @!p0 $0x10;
	s28 =	sadd.s32 $0xABC00, s28;
	[bflag:$0x0] =	sbarrier.arrive $0xFFFF  }
0x42: {  	[hbm:s28@s30], [sflag:s5] =	dma.strided @!p0 [spmem:s4@s31], $0x2800, s3, $0x2   }
0x43: {  	_ =	swait.ge @!p0 [sflag:s3], $0x2800  }
.LBB2_1:
0x44: {  	[sflag:s3] =	ssyncset.done @!p0 $0x0  }
0x45: {  	s0 =	rddreg [dreg:$0x3];
	[sflag:s3] =	ssyncadd.s32 @!p0 $0xFFFFD800  }
0x46: {  	[spmem:s4], [sflag:s5] =	dma.local @!p0 [hbm:s0], $0x2800  }
0x47: {  	_ =	swait.ge @!p0 [sflag:s3], $0x2800  }
0x48: {  	[sflag:s3] =	ssyncset.done @!p0 $0x0  }
0x49: {  	[sflag:s3] =	ssyncadd.s32 @!p0 $0xFFFFD800  }
0x4a: {  	[bflag:$0x0] =	sbarrier.arrive $0xFFFF  }
0x4b: {  	s0 =	rddreg [dreg:$0x4]  }
0x4c: {  	[tilespmem:s2], [sflag:$0x1] =	stream.linear.gather [hbm4b:s0+s2], $0x800, $0x38;
	[tilespmem:$0x6C00] =	vst v63  }
0x4d: {  	_ =	swait.ge [sflag:s6], $0x800  }
0x4e: {  	[sflag:s6] =	ssyncset.done $0x0  }
0x4f: {  	s0 =	rddreg [dreg:$0x5];
	[sflag:s6] =	ssyncadd.s32 $0xFFFFF800  }
0x50: {  	[tilespmem:s9], [sflag:$0x1] =	stream.strided.gather [hbm4b:s0+s7], $0x5000, s8, s7, $0x38;
	[tilespmem:$0x6C00] =	vst v63  }
0x51: {  	_ =	swait.ge [sflag:s6], $0x5000  }
0x52: {  	[sflag:s6] =	ssyncset.done $0x0  }
0x53: {  	[sflag:s6] =	ssyncadd.s32 $0xFFFFB000  }
0x54: {  	[spmem:s1] =	stream.indirect.scatter.add.f32 [tilespmem:s9], [sflag:$0x1], $0x10, s2, s8, $0xb8;
	[tilespmem:$0x6C00] =	vst v63  }
0x55: {  	_ =	swait.ge [sflag:s6], $0x800  }
0x56: {  	[sflag:s6] =	ssyncset.done $0x0  }
0x57: {  	[sflag:s6] =	ssyncadd.s32 $0xFFFFF800  }
0x58: {  	[spmem:s1] =	stream.indirect.scatter.add.f32 [tilespmem:s10], [sflag:$0x1], $0x10, s8, s8, $0xb8;
	[tilespmem:$0x6C00] =	vst v63  }
0x59: {  	_ =	swait.ge [sflag:s6], $0x800  }
0x5a: {  	[sflag:s6] =	ssyncset.done $0x0  }
0x5b: {  	[sflag:s6] =	ssyncadd.s32 $0xFFFFF800  }
0x5c: {  	[spmem:s1] =	stream.indirect.scatter.add.f32 [tilespmem:s12], [sflag:$0x1], $0x10, s11, s8, $0xb8;
	[tilespmem:$0x6C00] =	vst v63  }
0x5d: {  	_ =	swait.ge [sflag:s6], $0x800  }
0x5e: {  	[sflag:s6] =	ssyncset.done $0x0  }
0x5f: {  	[sflag:s6] =	ssyncadd.s32 $0xFFFFF800  }
0x60: {  	[spmem:s1] =	stream.indirect.scatter.add.f32 [tilespmem:s14], [sflag:$0x1], $0x10, s13, s8, $0xb8;
	[tilespmem:$0x6C00] =	vst v63  }
0x61: {  	_ =	swait.ge [sflag:s6], $0x800  }
0x62: {  	[sflag:s6] =	ssyncset.done $0x0  }
0x63: {  	[sflag:s6] =	ssyncadd.s32 $0xFFFFF800  }
0x64: {  	[spmem:s1] =	stream.indirect.scatter.add.f32 [tilespmem:s16], [sflag:$0x1], $0x10, s15, s8, $0xb8;
	[tilespmem:$0x6C00] =	vst v63  }
0x65: {  	_ =	swait.ge [sflag:s6], $0x800  }
0x66: {  	[sflag:s6] =	ssyncset.done $0x0  }
0x67: {  	[sflag:s6] =	ssyncadd.s32 $0xFFFFF800  }
0x68: {  	[spmem:s1] =	stream.indirect.scatter.add.f32 [tilespmem:s18], [sflag:$0x1], $0x10, s17, s8, $0xb8;
	[tilespmem:$0x6C00] =	vst v63  }
0x69: {  	_ =	swait.ge [sflag:s6], $0x800  }
0x6a: {  	[sflag:s6] =	ssyncset.done $0x0  }
0x6b: {  	[sflag:s6] =	ssyncadd.s32 $0xFFFFF800  }
0x6c: {  	[spmem:s1] =	stream.indirect.scatter.add.f32 [tilespmem:s20], [sflag:$0x1], $0x10, s19, s8, $0xb8;
	[tilespmem:$0x6C00] =	vst v63  }
0x6d: {  	_ =	swait.ge [sflag:s6], $0x800  }
0x6e: {  	[sflag:s6] =	ssyncset.done $0x0  }
0x6f: {  	[sflag:s6] =	ssyncadd.s32 $0xFFFFF800  }
0x70: {  	[spmem:s1] =	stream.indirect.scatter.add.f32 [tilespmem:s22], [sflag:$0x1], $0x10, s21, s8, $0xb8;
	[tilespmem:$0x6C00] =	vst v63  }
0x71: {  	_ =	swait.ge [sflag:s6], $0x800  }
0x72: {  	[sflag:s6] =	ssyncset.done $0x0  }
0x73: {  	[sflag:s6] =	ssyncadd.s32 $0xFFFFF800  }
0x74: {  	[spmem:s1] =	stream.indirect.scatter.add.f32 [tilespmem:s24], [sflag:$0x1], $0x10, s23, s8, $0xb8;
	[tilespmem:$0x6C00] =	vst v63  }
0x75: {  	_ =	swait.ge [sflag:s6], $0x800  }
0x76: {  	[sflag:s6] =	ssyncset.done $0x0  }
0x77: {  	s29 =	sadd.s32 $0xFFFFFFFF, s29;
	[sflag:s6] =	ssyncadd.s32 $0xFFFFF800  }
0x78: {  	[spmem:s1] =	stream.indirect.scatter.add.f32 [tilespmem:s26], [sflag:$0x1], $0x10, s25, s8, $0xb8;
	[tilespmem:$0x6C00] =	vst v63  }
0x79: {  	p1 =	sne.s32 s29, $0x0;
	_ =	swait.ge [sflag:s6], $0x800  }
.Ltmp1:
0x7a: {  	[sflag:s6] =	ssyncset.done $0x0;
	(pc) =	sbr.rel @p1 .LBB2_1-.Ltmp1, $4  }
0x7b: {  	[sflag:s6] =	ssyncadd.s32 $0xFFFFF800  }
0x7c: {  	[bflag:$0x0] =	sbarrier.arrive $0xFFFF  }
0x7d: {  	[hbm:s28@s30], [sflag:s5] =	dma.strided @!p0 [spmem:s4@s31], $0x2800, s3, $0x2   }
0x7e: {  	_ =	swait.ge @!p0 [sflag:s3], $0x2800  }
.LBB2_2:
0x7f: {  	[sflag:s3] =	ssyncset.done @!p0 $0x0  }
0x80: {  	[sflag:s3] =	ssyncadd.s32 @!p0 $0xFFFFD800  }
0x81: {  	_ =	sfence.sel $0x180000  }
0x82: {  	[bflag:$0x0] =	sbarrier.arrive $0xFFFF  }
0x83: {  	_ =	strace $0x9000004A  }
0x84: {  	[bflag:$0x2] =	sbarrier.arrive $0xFFFF  }
0x85: {  	s0 =	rddreg [dreg:$0x2]  }
0x86: {  	s0 =	sadd.s32 @!p0 $0x100000, s0  }
0x87: {  	[sflag:s0] =	ssyncadd.tile.s32 @!p0 $0x1;
	_ =	shalt  }
.Lfunc_end2:
_tile_overlayer_lowered:
.L_overlay_start_2:
0x88: {  	(tag) =	ssettag $0x2  }
0x89: {  	s0 =	rddreg [dreg:$0x0];
	s2 =	stileid.u32  }
0x8a: {  	s1 =	rddreg [dreg:$0x1];
	p0 =	sne.s32 s2, $0x0  }
0x8b: {  	s3 =	rddreg [dreg:$0x2];
	[bflag:$0x3] =	sbarrier.arrive $0xFFFF;
	s2 =	simm.s32 @!p0 $0x1C01  }
0x8c: {  	[timem:s3], [sflag:s2] =	dma.local @!p0 [hbm:s0], s1  }
0x8d: {  	s0 =	simm.s32 @!p0 $0x1  }
0x8e: {  	_ =	swait.ge @!p0 [sflag:s0], s1  }
0x8f: {  	s1 =	ssub.s32 @!p0 $0x0, s1;
	[sflag:s0] =	ssyncset.done @!p0 $0x0  }
0x90: {  	[sflag:s0] =	ssyncadd.s32 @!p0 s1  }
0x91: {  	[bflag:$0x3] =	sbarrier.arrive $0xFFFF  }
0x92: {  	_ =	shalt  }

// kernel: kernel.7.cloned.1.call-start
scs
__scs_entry_jumppad:
0x0: {  	(pc) =	sbr.rel $0x88, $3  }
0x1: {  	(tag) =	ssettag $0x0;
	lr =	simm.s32 $0x1  }
0x2: {  	[smem:$0x3F93] =	sst lr;
	_ =	strace $0xD0000000  }
0x3: {  	_ = 	snop  }
0x4: {  	_ = 	snop  }
0x5: {  	_ = 	snop  }
0x6: {  	_ = 	snop  }
0x7: {  	_ = 	snop  }
__scs_overlays_trampoline_lowered:
0x8: {  	[smem:$0x3FA2] =	sst s0  }
0x9: {  	[smem:$0x3FA3] =	sst s1  }
0xa: {  	[smem:$0x3FA4] =	sst s2  }
0xb: {  	[smem:$0x3FA5] =	sst s3  }
0xc: {  	[smem:$0x3FA6] =	sst s4  }
0xd: {  	[smem:$0x3FA7] =	sst s5  }
0xe: {  	[smem:$0x3FA8] =	sst s6  }
0xf: {  	[smem:$0x3FA9] =	sst s7  }
0x10: {  	[smem:$0x3FAA] =	sst s8  }
0x11: {  	[smem:$0x3FAB] =	sst s9;
	s0 =	simm.s32 @!p0 $0x0  }
0x12: {  	s1 =	sld [smem:$0x3F91];
	s0 =	simm.s32 @p0 $0x1  }
0x13: {  	[smem:$0x3FAC] =	sst s0;
	s0 =	simm.s32 @!p1 $0x0  }
0x14: {  	s2 =	sld [smem:$0x3F90];
	s0 =	simm.s32 @p1 $0x1  }
0x15: {  	[smem:$0x3FAD] =	sst s0;
	s0 =	simm.s32 @!p2 $0x0  }
0x16: {  	s3 =	sld [smem:$0x3FDB];
	s0 =	simm.s32 @p2 $0x1  }
0x17: {  	s4 =	simm.s32 $0x1BF5;
	[smem:$0x3FAF] =	sst s0  }
0x18: {  	s0 =	sld [smem:$0x3F92];
	_ =	swait.ge [sflag:s4], $0x0  }
0x19: {  	s7 =	sld [smem:$0x3F93]  }
0x1a: {  	s8 =	sadd.s32 $0xFFFFE003, lr  }
0x1b: {  	s9 =	sadd.s32 $0xFFFFFEF7, lr;
	s5 =	simm.s32 $0xFFFFFFFF;
	p2 =	slt.u32 s8, $0xFFFFF086  }
0x1c: {  	p1 =	slt.u32 s9, $0xF7A;
	s5 =	simm.s32 @!p2 $0x0  }
0x1d: {  	s5 =	simm.s32 @p1 $0x1;
	p0 =	seq.s32 s7, s2  }
0x1e: {  	s7 =	smul.u32 @!p0 $0xF7A, s2;
	p2 =	seq.s32 @!p0 s5, $0x0  }
0x1f: {  	s9 =	smul.u32 $0xF7A, s1;
	s8 =	simm.s32 @!p0 $0x1BF5;
	p2 =	por !p2, p0  }
0x20: {  	[sflag:s8] =	ssyncset.s32 @!p0 $0xFFFFF086;
	s6 =	sadd.s32 @!p0 s3, s7;
	s7 =	simm.s32 @!p0 $0x108  }
0x21: {  	s3 =	sadd.s32 s3, s9;
	s6 =	sadd.s32 @!p0 $0x88, s6;
	s7 =	simm.s32 @p2 $0x1082  }
0x22: {  	[simem:s7], [sflag:s8] =	dma.local @!p0 [hbm:s6], $0xF7A  }
0x23: {  	s9 =	sor.u32 $0xD0000000, s2;
	s6 =	simm.s32 $0x108;
	_ =	swait.ge @!p0 [sflag:s8], $0x0  }
0x24: {  	s3 =	sadd.s32 $0x88, s3;
	s6 =	simm.s32 @!p1 $0x1082;
	[sflag:s4] =	ssyncset.s32 $0xFFFFF086  }
0x25: {  	[simem:s6], [sflag:s4] =	dma.local [hbm:s3], $0xF7A  }
0x26: {  	[smem:$0x3F93] =	sst s1;
	(tag) =	ssettag s2;
	_ =	strace s9  }
0x27: {  	s1 =	sld [smem:$0x3FA3]  }
0x28: {  	s2 =	sld [smem:$0x3FA4]  }
0x29: {  	s4 =	sld [smem:$0x3FA6]  }
0x2a: {  	p0 =	seq.s32 s5, $0x0;
	s5 =	sld [smem:$0x3FA7]  }
0x2b: {  	s6 =	sld [smem:$0x3FA8]  }
0x2c: {  	s7 =	sld [smem:$0x3FA9]  }
0x2d: {  	s3 =	simm.s32 $0x108;
	s8 =	sld [smem:$0x3FAA]  }
0x2e: {  	s3 =	simm.s32 @!p0 $0x1082;
	s9 =	sld [smem:$0x3FAB]  }
0x2f: {  	lr =	sadd.s32 s0, s3;
	s0 =	sld [smem:$0x3FA2]  }
0x30: {  	s3 =	sld [smem:$0x3FA5]  }
0x31: {  	[smem:$0x3FAE] =	sst s10  }
0x32: {  	s10 =	sld [smem:$0x3FAC];
	_ =	sdelay $0x3  }
0x33: {  	p0 =	seq.s32 s10, $0x1;
	s10 =	sld [smem:$0x3FAE];
	_ =	sdelay $0x3  }
0x34: {  	[smem:$0x3FAE] =	sst s10  }
0x35: {  	s10 =	sld [smem:$0x3FAD];
	_ =	sdelay $0x3  }
0x36: {  	p1 =	seq.s32 s10, $0x1;
	s10 =	sld [smem:$0x3FAE];
	_ =	sdelay $0x3  }
0x37: {  	[smem:$0x3FAE] =	sst s10  }
0x38: {  	s10 =	sld [smem:$0x3FAF]  }
0x39: {  	_ = 	snop;
	(pc) =	sbr.ind lr, $3  }
0x3a: {  	_ = 	snop  }
0x3b: {  	_ = 	snop  }
0x3c: {  	p2 =	seq.s32 s10, $0x1;
	s10 =	sld [smem:$0x3FAE]  }
0x3d: {  	_ =	shalt  }
0x3e: {  	_ =	shalt  }
0x3f: {  	_ =	shalt  }
0x40: {  	_ =	shalt  }
0x41: {  	_ =	shalt  }
0x42: {  	_ =	shalt  }
0x43: {  	_ =	shalt  }
0x44: {  	_ =	shalt  }
0x45: {  	_ =	shalt  }
0x46: {  	_ =	shalt  }
0x47: {  	_ =	shalt  }
0x48: {  	_ =	shalt  }
0x49: {  	_ =	shalt  }
0x4a: {  	_ =	shalt  }
0x4b: {  	_ =	shalt  }
0x4c: {  	_ =	shalt  }
0x4d: {  	_ =	shalt  }
0x4e: {  	_ =	shalt  }
0x4f: {  	_ =	shalt  }
0x50: {  	_ =	shalt  }
0x51: {  	_ =	shalt  }
0x52: {  	_ =	shalt  }
0x53: {  	_ =	shalt  }
0x54: {  	_ =	shalt  }
0x55: {  	_ =	shalt  }
0x56: {  	_ =	shalt  }
0x57: {  	_ =	shalt  }
0x58: {  	_ =	shalt  }
0x59: {  	_ =	shalt  }
0x5a: {  	_ =	shalt  }
0x5b: {  	_ =	shalt  }
0x5c: {  	_ =	shalt  }
0x5d: {  	_ =	shalt  }
0x5e: {  	_ =	shalt  }
0x5f: {  	_ =	shalt  }
0x60: {  	_ =	shalt  }
0x61: {  	_ =	shalt  }
0x62: {  	_ =	shalt  }
0x63: {  	_ =	shalt  }
0x64: {  	_ =	shalt  }
0x65: {  	_ =	shalt  }
0x66: {  	_ =	shalt  }
0x67: {  	_ =	shalt  }
0x68: {  	_ =	shalt  }
0x69: {  	_ =	shalt  }
0x6a: {  	_ =	shalt  }
0x6b: {  	_ =	shalt  }
0x6c: {  	_ =	shalt  }
0x6d: {  	_ =	shalt  }
0x6e: {  	_ =	shalt  }
0x6f: {  	_ =	shalt  }
0x70: {  	_ =	shalt  }
0x71: {  	_ =	shalt  }
0x72: {  	_ =	shalt  }
0x73: {  	_ =	shalt  }
0x74: {  	_ =	shalt  }
0x75: {  	_ =	shalt  }
0x76: {  	_ =	shalt  }
0x77: {  	_ =	shalt  }
0x78: {  	_ =	shalt  }
0x79: {  	_ =	shalt  }
0x7a: {  	_ =	shalt  }
0x7b: {  	_ =	shalt  }
0x7c: {  	_ =	shalt  }
0x7d: {  	_ =	shalt  }
0x7e: {  	_ =	shalt  }
0x7f: {  	_ =	shalt  }
0x80: {  	_ =	shalt  }
0x81: {  	_ =	shalt  }
0x82: {  	_ =	shalt  }
0x83: {  	_ =	shalt  }
0x84: {  	_ =	shalt  }
0x85: {  	_ =	shalt  }
0x86: {  	_ =	shalt  }
0x87: {  	_ =	shalt  }
.Lfunc_end0:
.L_simem_size_0:
called_computation_lowered:
.L_overlay_start_0:
0x88: {  	s2 =	sld [smem:$0x3FD9]  }
0x89: {  	s3 =	sld [smem:$0x3FFE];
	_ =	sdelay $0x1  }
0x8a: {  	s1 =	srdreg.scid  }
0x8b: {  	s0 =	sand.u32 $0x1, s1  }
0x8c: {  	s16 =	sshll.u32 s0, $0xA;
	s2 =	sadd.s32 s3, s2  }
0x8d: {  	s2 =	sadd.s32 s2, s16  }
0x8e: {  	[smem:$0x3FBA] =	sst s2  }
0x8f: {  	_ = 	snop  }
0x90: {  	(tm) =	ssettm $0x1  }
0x91: {  	s17 =	sld [smem:$0x3FFB];
	_ =	sdelay $0x3  }
0x92: {  	_ =	strace s17  }
0x93: {  	s2 =	sld [smem:$0x3FFC];
	_ =	sdelay $0x3  }
0x94: {  	_ =	strace s2  }
0x95: {  	s2 =	sld [smem:$0x3FFD];
	_ =	sdelay $0x3  }
0x96: {  	_ =	strace s2  }
0x97: {  	_ =	strace $0x8FFFFFFF  }
0x98: {  	s18 =	sld [smem:$0x3FDB];
	_ =	sdelay $0x1  }
0x99: {  	s19 =	simm.s32 $_scs_section_size  }
0x9a: {  	s4 =	simm.s32 $_size__tile_overlayer_lowered;
	s5 =	simm.s32 $_tile_overlayer_lowered  }
0x9b: {  	s22 =	simm.s32 $0x1BFF;
	s21 =	sshll.u32 s5, $0x1;
	s2 =	sadd.s32 s19, s18  }
0x9c: {  	s6 =	simm.s32 $0x0;
	s20 =	sshll.u32 s4, $0x1;
	s4 =	sadd.s32 s21, s2  }
0x9d: {  	[timem:s6], [sflag:s22] =	dma.local [hbm:s4], s20  }
0x9e: {  	_ =	swait.ge [sflag:s22], s20  }
0x9f: {  	s3 =	ssub.s32 $0x0, s20;
	[sflag:s22] =	ssyncset.done $0x0  }
0xa0: {  	[sflag:s22] =	ssyncadd.s32 s3;
	_ =	sdelay $0x1  }
0xa1: {  	s23 =	simm.s32 $0x1B8B  }
0xa2: {  	_ =	swait.ge [sflag:s23], $0x1  }
0xa3: {  	[sflag:s23] =	ssyncset.done $0x0  }
0xa4: {  	s25 =	simm.s32 $0x1B8E;
	s24 =	sld [smem:$0x3FFE];
	[sflag:s23] =	ssyncadd.s32 $0xFFFFFFFF  }
0xa5: {  	s26 =	simm.s32 $execute0_lowered;
	[smem:$0x3FD2] =	sst s25  }
0xa6: {  	s4 =	sshll.u32 s26, $0x1;
	_ =	strace $0x80000046;
	[dreg:$0x1] =	wrdreg $0xFFFFFFFF  }
0xa7: {  	s28 =	simm.s32 $_size_execute0_lowered;
	s2 =	sadd.s32 s2, s4;
	[dreg:$0x0] =	wrdreg $0x0  }
0xa8: {  	s4 =	sshll.u32 s28, $0x1;
	[dreg:$0x2] =	wrdreg s2  }
0xa9: {  	[dreg:$0x3] =	wrdreg s4  }
0xaa: {  	[dreg:$0x4] =	wrdreg $0xC0  }
0xab: {  	_ =	task [dreg:s6], $0x5FFFF  }
0xac: {  	[dreg:$0x1] =	wrdreg $0xFFFFFFFF  }
0xad: {  	[dreg:$0x0] =	wrdreg $0x60  }
0xae: {  	[dreg:$0x2] =	wrdreg s24  }
0xaf: {  	[dreg:$0x3] =	wrdreg $0x9  }
0xb0: {  	_ =	task.clear_ibuf [dreg:s6], $0x4FFFF;
	_ =	strace $0x90000046  }
0xb1: {  	s29 =	simm.s32 $0x9;
	_ =	strace $0x80000048  }
0xb2: {  	_ =	swait.ge [sflag:s29], $0x1  }
0xb3: {  	[sflag:s29] =	ssyncadd.s32 $0xFFFFFFFF  }
0xb4: {  	_ =	strace $0x90000048  }
0xb5: {  	_ =	sfence  }
0xb6: {  	s30 =	sld [smem:$0x0];
	_ =	sdelay $0x2  }
0xb7: {  	s31 =	sshll.u32 s1, $0xD;
	s1 =	sshrl.u32 s1, $0x2  }
0xb8: {  	s3 =	sand.u32 $0x4000, s31;
	s1 =	sadd.s32 s1, s30  }
0xb9: {  	s0 =	sor.u32 s3, s0;
	s1 =	sshll.u32 s1, $0x11  }
0xba: {  	s0 =	sor.u32 s1, s0  }
0xbb: {  	s0 =	sadd.s32 $0x8F2B, s0  }
0xbc: {  	[sflag:s0] =	ssyncadd.remote.s32 $0x1  }
0xbd: {  	_ =	sfence.sel $0xFFFF  }
0xbe: {  	[dreg:$0x0] =	wrdreg $0xFFFFFFFF;
	(pc) =	sbr.abs _section_cstart, $3  }
0xbf: {  	[dreg:$0x1] =	wrdreg $0xFFFFFFFF  }
0xc0: {  	_ =	task.clear_ibuf [dreg:s6], $0x2FFFF;
	_ =	strace $0x9FFFFFFF  }
0xc1: {  	(tm) =	ssettm $0x7FFFFFFF  }
tec
execute0_lowered:
.L_overlay_start_1:
0x0: {  	(tag) =	ssettag $0x1  }
0x1: {  	s5 =	rddreg [dreg:$0x0];
	s2 =	simm.s32 $0x0  }
0x2: {  	s24 =	simm.s32 $0x2800;
	[smem:$0x7FF] =	sst s2  }
0x3: {  	s25 =	simm.s32 $0x100;
	_ =	strace $0x80000047;
	[dreg:$0x6] =	wrdreg s24  }
0x4: {  	s0 =	stileid.u32;
	s26 =	simm.s32 $0x4000;
	[dreg:$0x7] =	wrdreg s25  }
0x5: {  	s3 =	sshll.u32 s0, $0x1;
	s0 =	simm.s32 $0x180;
	[dreg:$0x8] =	wrdreg s26  }
0x6: {  	s9 =	simm.s32 $0x8800;
	[dreg:$0x9] =	wrdreg s0  }
0x7: {  	s1 =	srdreg.scid;
	s10 =	simm.s32 $0x300;
	[dreg:$0xe] =	wrdreg s9  }
0x8: {  	s11 =	simm.s32 $0xA000;
	s12 =	simm.s32 $0x380;
	[dreg:$0xf] =	wrdreg s10  }
0x9: {  	s13 =	simm.s32 $0xB800;
	s1 =	sand.u32 $0x1, s1;
	[dreg:$0x10] =	wrdreg s11  }
0xa: {  	s14 =	simm.s32 $0x400;
	s3 =	sor.u32 s1, s3;
	[dreg:$0x11] =	wrdreg s12  }
0xb: {  	s16 =	simm.s32 $0xD000;
	[dreg:$0x12] =	wrdreg s13;
	s4 =	sshll.u32 s3, $0x8  }
0xc: {  	[dreg:$0x13] =	wrdreg s14;
	s6 =	smul.u32 $0x28000, s3;
	s4 =	sadd.s32 s4, s5  }
0xd: {  	[dreg:$0x14] =	wrdreg s16;
	s3 =	smul.u32 $0x5000, s3;
	s8 =	sadd.s32 $0x9C00, s4  }
0xe: {  	s7 =	sadd.s32 $0xDC00, s5;
	s4 =	sadd.s32 $0xBC00, s4;
	[dreg:$0x2] =	wrdreg s8  }
0xf: {  	s3 =	sadd.s32 s7, s3;
	[dreg:$0x3] =	wrdreg s4  }
0x10: {  	s6 =	sshrl.u32 s6, $0x3;
	[dreg:$0x4] =	wrdreg s3;
	s4 =	simm.s32 $0x5800  }
0x11: {  	s22 =	sadd.s32 s7, s6;
	s6 =	simm.s32 $0x200;
	[dreg:$0xa] =	wrdreg s4  }
0x12: {  	s7 =	simm.s32 $0x7000;
	[dreg:$0xb] =	wrdreg s6  }
0x13: {  	s8 =	simm.s32 $0x280;
	[dreg:$0xc] =	wrdreg s7  }
0x14: {  	[dreg:$0xd] =	wrdreg s8  }
0x15: {  	s23 =	sadd.s32 $0xA0000, s22;
	s15 =	rddreg [dreg:$0x2]  }
0x16: {  	s3 =	simm.s32 $0x2;
	[dreg:$0x5] =	wrdreg s23  }
0x17: {  	[tilespmem:s2], [sflag:$0x2] =	stream.linear.gather [hbm4b:s15+s2], $0x800, $0x38;
	[tilespmem:$0x1F000] =	vst v63  }
0x18: {  	_ =	swait.ge [sflag:s3], $0x800  }
0x19: {  	[sflag:s3] =	ssyncset.done $0x0  }
0x1a: {  	s4 =	simm.s32 $0x800;
	s17 =	rddreg [dreg:$0x3];
	[sflag:s3] =	ssyncadd.s32 $0xFFFFF800  }
0x1b: {  	[tilespmem:s4], [sflag:$0x2] =	stream.linear.gather [hbm4b:s17+s2], $0x800, $0x38;
	[tilespmem:$0x1F000] =	vst v63  }
0x1c: {  	_ =	swait.ge [sflag:s3], $0x800  }
0x1d: {  	s18 =	rddreg [dreg:$0x14]  }
0x1e: {  	s9 =	rddreg [dreg:$0x12]  }
0x1f: {  	s10 =	rddreg [dreg:$0x10]  }
0x20: {  	s11 =	rddreg [dreg:$0xe]  }
0x21: {  	s6 =	sadd.s32 $0x2400, s5;
	s12 =	rddreg [dreg:$0xc]  }
0x22: {  	s5 =	simm.s32 $0x80;
	s13 =	rddreg [dreg:$0x7];
	[sflag:s3] =	ssyncset.done $0x0  }
0x23: {  	s7 =	simm.s32 $0x1000;
	s14 =	rddreg [dreg:$0x6];
	[sflag:s3] =	ssyncadd.s32 $0xFFFFF800  }
0x24: {  	[tilespmem:s7], [sflag:$0x1] =	stream.indirect.gather [hbm4b:s6+s5], $0x30, s2, s5, $0xb8;
	[tilespmem:$0x1F000] =	vst v63  }
0x25: {  	s15 =	rddreg [dreg:$0x8]  }
0x26: {  	[tilespmem:s14], [sflag:$0x1] =	stream.indirect.gather [hbm4b:s6+s5], $0x30, s5, s5, $0xb8;
	[tilespmem:$0x1F000] =	vst v63  }
0x27: {  	s16 =	rddreg [dreg:$0xa]  }
0x28: {  	[tilespmem:s15], [sflag:$0x1] =	stream.indirect.gather [hbm4b:s6+s5], $0x30, s13, s5, $0xb8;
	[tilespmem:$0x1F000] =	vst v63  }
0x29: {  	s19 =	rddreg [dreg:$0x9]  }
0x2a: {  	[tilespmem:s16], [sflag:$0x1] =	stream.indirect.gather [hbm4b:s6+s5], $0x30, s19, s5, $0xb8;
	[tilespmem:$0x1F000] =	vst v63  }
0x2b: {  	s20 =	rddreg [dreg:$0xb]  }
0x2c: {  	[tilespmem:s12], [sflag:$0x1] =	stream.indirect.gather [hbm4b:s6+s5], $0x30, s20, s5, $0xb8;
	[tilespmem:$0x1F000] =	vst v63  }
0x2d: {  	s21 =	rddreg [dreg:$0xd]  }
0x2e: {  	[tilespmem:s11], [sflag:$0x1] =	stream.indirect.gather [hbm4b:s6+s5], $0x30, s21, s5, $0xb8;
	[tilespmem:$0x1F000] =	vst v63  }
0x2f: {  	s22 =	rddreg [dreg:$0xf]  }
0x30: {  	[tilespmem:s10], [sflag:$0x1] =	stream.indirect.gather [hbm4b:s6+s5], $0x30, s22, s5, $0xb8;
	[tilespmem:$0x1F000] =	vst v63  }
0x31: {  	s23 =	rddreg [dreg:$0x11]  }
0x32: {  	[tilespmem:s9], [sflag:$0x1] =	stream.indirect.gather [hbm4b:s6+s5], $0x30, s23, s5, $0xb8;
	[tilespmem:$0x1F000] =	vst v63  }
0x33: {  	s24 =	rddreg [dreg:$0x13]  }
0x34: {  	[tilespmem:s18], [sflag:$0x1] =	stream.indirect.gather [hbm4b:s6+s5], $0x30, s24, s5, $0xb8;
	[tilespmem:$0x1F000] =	vst v63  }
0x35: {  	s25 =	simm.s32 $0x480;
	s26 =	simm.s32 $0xE800  }
0x36: {  	[tilespmem:s26], [sflag:$0x1] =	stream.indirect.gather [hbm4b:s6+s5], $0x30, s25, s5, $0xb8;
	[tilespmem:$0x1F000] =	vst v63  }
0x37: {  	s8 =	simm.s32 $0x10000  }
0x38: {  	[tilespmem:s8], [sflag:$0x1] =	stream.indirect.gather [hbm4b:s6+s5], $0x30, s4, s5, $0xb8;
	[tilespmem:$0x1F000] =	vst v63  }
0x39: {  	s10 =	simm.s32 $0x11800;
	s9 =	simm.s32 $0x880  }
0x3a: {  	[tilespmem:s10], [sflag:$0x1] =	stream.indirect.gather [hbm4b:s6+s5], $0x30, s9, s5, $0xb8;
	[tilespmem:$0x1F000] =	vst v63  }
0x3b: {  	s12 =	simm.s32 $0x13000;
	s11 =	simm.s32 $0x900  }
0x3c: {  	[tilespmem:s12], [sflag:$0x1] =	stream.indirect.gather [hbm4b:s6+s5], $0x30, s11, s5, $0xb8;
	[tilespmem:$0x1F000] =	vst v63  }
0x3d: {  	s14 =	simm.s32 $0x14800;
	s13 =	simm.s32 $0x980  }
0x3e: {  	[tilespmem:s14], [sflag:$0x1] =	stream.indirect.gather [hbm4b:s6+s5], $0x30, s13, s5, $0xb8;
	[tilespmem:$0x1F000] =	vst v63  }
0x3f: {  	s17 =	simm.s32 $0xA00;
	s18 =	simm.s32 $0x16000  }
0x40: {  	[tilespmem:s18], [sflag:$0x1] =	stream.indirect.gather [hbm4b:s6+s5], $0x30, s17, s5, $0xb8;
	[tilespmem:$0x1F000] =	vst v63  }
0x41: {  	s19 =	simm.s32 $0xA80;
	s20 =	simm.s32 $0x17800  }
0x42: {  	[tilespmem:s20], [sflag:$0x1] =	stream.indirect.gather [hbm4b:s6+s5], $0x30, s19, s5, $0xb8;
	[tilespmem:$0x1F000] =	vst v63  }
0x43: {  	s21 =	simm.s32 $0xB00;
	s22 =	simm.s32 $0x19000  }
0x44: {  	[tilespmem:s22], [sflag:$0x1] =	stream.indirect.gather [hbm4b:s6+s5], $0x30, s21, s5, $0xb8;
	[tilespmem:$0x1F000] =	vst v63  }
0x45: {  	s23 =	simm.s32 $0xB80;
	s24 =	simm.s32 $0x1A800  }
0x46: {  	[tilespmem:s24], [sflag:$0x1] =	stream.indirect.gather [hbm4b:s6+s5], $0x30, s23, s5, $0xb8;
	[tilespmem:$0x1F000] =	vst v63  }
0x47: {  	s25 =	simm.s32 $0xC00;
	s26 =	simm.s32 $0x1C000  }
0x48: {  	[tilespmem:s26], [sflag:$0x1] =	stream.indirect.gather [hbm4b:s6+s5], $0x30, s25, s5, $0xb8;
	[tilespmem:$0x1F000] =	vst v63  }
0x49: {  	s28 =	simm.s32 $0xC80;
	s29 =	simm.s32 $0x1D800;
	s30 =	simm.s32 $0x1  }
0x4a: {  	[tilespmem:s29], [sflag:$0x1] =	stream.indirect.gather [hbm4b:s6+s5], $0x30, s28, s5, $0xb8;
	[tilespmem:$0x1F000] =	vst v63  }
0x4b: {  	_ =	swait.ge [sflag:s30], $0x1800  }
0x4c: {  	[sflag:s30] =	ssyncset.done $0x0  }
0x4d: {  	[sflag:s30] =	ssyncadd.s32 $0xFFFFE800  }
0x4e: {  	_ =	swait.ge [sflag:s30], $0x1800  }
0x4f: {  	[sflag:s30] =	ssyncset.done $0x0  }
0x50: {  	[sflag:s30] =	ssyncadd.s32 $0xFFFFE800  }
0x51: {  	_ =	swait.ge [sflag:s30], $0x1800  }
0x52: {  	[sflag:s30] =	ssyncset.done $0x0  }
0x53: {  	[sflag:s30] =	ssyncadd.s32 $0xFFFFE800  }
0x54: {  	_ =	swait.ge [sflag:s30], $0x1800  }
0x55: {  	[sflag:s30] =	ssyncset.done $0x0  }
0x56: {  	[sflag:s30] =	ssyncadd.s32 $0xFFFFE800  }
0x57: {  	_ =	swait.ge [sflag:s30], $0x1800  }
0x58: {  	[sflag:s30] =	ssyncset.done $0x0  }
0x59: {  	[sflag:s30] =	ssyncadd.s32 $0xFFFFE800  }
0x5a: {  	_ =	swait.ge [sflag:s30], $0x1800  }
0x5b: {  	[sflag:s30] =	ssyncset.done $0x0  }
0x5c: {  	[sflag:s30] =	ssyncadd.s32 $0xFFFFE800  }
0x5d: {  	_ =	swait.ge [sflag:s30], $0x1800  }
0x5e: {  	[sflag:s30] =	ssyncset.done $0x0  }
0x5f: {  	[sflag:s30] =	ssyncadd.s32 $0xFFFFE800  }
0x60: {  	_ =	swait.ge [sflag:s30], $0x1800  }
0x61: {  	[sflag:s30] =	ssyncset.done $0x0  }
0x62: {  	[sflag:s30] =	ssyncadd.s32 $0xFFFFE800  }
0x63: {  	_ =	swait.ge [sflag:s30], $0x1800  }
0x64: {  	[sflag:s30] =	ssyncset.done $0x0  }
0x65: {  	[sflag:s30] =	ssyncadd.s32 $0xFFFFE800  }
0x66: {  	_ =	swait.ge [sflag:s30], $0x1800  }
0x67: {  	[sflag:s30] =	ssyncset.done $0x0  }
0x68: {  	[sflag:s30] =	ssyncadd.s32 $0xFFFFE800  }
0x69: {  	_ =	swait.ge [sflag:s30], $0x1800  }
0x6a: {  	[sflag:s30] =	ssyncset.done $0x0  }
0x6b: {  	[sflag:s30] =	ssyncadd.s32 $0xFFFFE800  }
0x6c: {  	_ =	swait.ge [sflag:s30], $0x1800  }
0x6d: {  	[sflag:s30] =	ssyncset.done $0x0  }
0x6e: {  	[sflag:s30] =	ssyncadd.s32 $0xFFFFE800  }
0x6f: {  	_ =	swait.ge [sflag:s30], $0x1800  }
0x70: {  	[sflag:s30] =	ssyncset.done $0x0  }
0x71: {  	[sflag:s30] =	ssyncadd.s32 $0xFFFFE800  }
0x72: {  	_ =	swait.ge [sflag:s30], $0x1800  }
0x73: {  	[sflag:s30] =	ssyncset.done $0x0  }
0x74: {  	[sflag:s30] =	ssyncadd.s32 $0xFFFFE800  }
0x75: {  	_ =	swait.ge [sflag:s30], $0x1800  }
0x76: {  	[sflag:s30] =	ssyncset.done $0x0  }
0x77: {  	[sflag:s30] =	ssyncadd.s32 $0xFFFFE800  }
0x78: {  	_ =	swait.ge [sflag:s30], $0x1800  }
0x79: {  	[sflag:s30] =	ssyncset.done $0x0  }
0x7a: {  	[sflag:s30] =	ssyncadd.s32 $0xFFFFE800  }
0x7b: {  	_ =	swait.ge [sflag:s30], $0x1800  }
0x7c: {  	[sflag:s30] =	ssyncset.done $0x0  }
0x7d: {  	[sflag:s30] =	ssyncadd.s32 $0xFFFFE800  }
0x7e: {  	_ =	swait.ge [sflag:s30], $0x1800  }
0x7f: {  	s1 =	ssub.s32 $0x2, s1;
	[sflag:s30] =	ssyncset.done $0x0  }
0x80: {  	s31 =	sshrl.u32 s1, $0x1;
	[sflag:s30] =	ssyncadd.s32 $0xFFFFE800  }
0x81: {  	s1 =	ssub.s32 s1, s31;
	_ =	swait.ge [sflag:s30], $0x1800  }
0x82: {  	s16 =	smax.u32 s1, $0x1;
	[sflag:s30] =	ssyncset.done $0x0  }
0x83: {  	p0 =	sne.s32 s16, $0x1;
	[sflag:s30] =	ssyncadd.s32 $0xFFFFE800  }
.Ltmp0:
0x84: {  	_ =	swait.ge [sflag:s30], $0x1800;
	(pc) =	sbr.rel @!p0 .LBB2_2-.Ltmp0, $4  }
0x85: {  	[sflag:s30] =	ssyncset.done $0x0  }
0x86: {  	s31 =	simm.s32 $0x30;
	s15 =	rddreg [dreg:$0x4];
	[sflag:s30] =	ssyncadd.s32 $0xFFFFE800  }
0x87: {  	[hbm4b:s15+s31] =	stream.strided.scatter [tilespmem:s7], [sflag:$0x2], $0xF000, s5, s31, $0x38;
	[tilespmem:$0x1F000] =	vst v63  }
0x88: {  	s1 =	sadd.s32 $0xFFFFFFFF, s16;
	_ =	swait.ge [sflag:s3], $0xF000  }
.LBB2_1:
0x89: {  	[sflag:s3] =	ssyncset.done $0x0  }
0x8a: {  	s0 =	rddreg [dreg:$0x5];
	[sflag:s3] =	ssyncadd.s32 $0xFFFF1000  }
0x8b: {  	[hbm4b:s0+s31] =	stream.strided.scatter [tilespmem:s8], [sflag:$0x2], $0xF000, s5, s31, $0x38;
	[tilespmem:$0x1F000] =	vst v63  }
0x8c: {  	_ =	swait.ge [sflag:s3], $0xF000  }
0x8d: {  	[sflag:s3] =	ssyncset.done $0x0  }
0x8e: {  	s13 =	rddreg [dreg:$0x2];
	[sflag:s3] =	ssyncadd.s32 $0xFFFF1000  }
0x8f: {  	[tilespmem:s2], [sflag:$0x2] =	stream.linear.gather [hbm4b:s13+s2], $0x800, $0x38;
	[tilespmem:$0x1F000] =	vst v63  }
0x90: {  	_ =	swait.ge [sflag:s3], $0x800  }
0x91: {  	[sflag:s3] =	ssyncset.done $0x0  }
0x92: {  	s14 =	rddreg [dreg:$0x3];
	[sflag:s3] =	ssyncadd.s32 $0xFFFFF800  }
0x93: {  	[tilespmem:s4], [sflag:$0x2] =	stream.linear.gather [hbm4b:s14+s2], $0x800, $0x38;
	[tilespmem:$0x1F000] =	vst v63  }
0x94: {  	_ =	swait.ge [sflag:s3], $0x800  }
0x95: {  	s0 =	rddreg [dreg:$0x14]  }
0x96: {  	s9 =	rddreg [dreg:$0x12]  }
0x97: {  	s10 =	rddreg [dreg:$0x10]  }
0x98: {  	s11 =	rddreg [dreg:$0xe]  }
0x99: {  	s12 =	rddreg [dreg:$0xc]  }
0x9a: {  	[sflag:s3] =	ssyncset.done $0x0;
	s13 =	rddreg [dreg:$0x7]  }
0x9b: {  	s14 =	rddreg [dreg:$0x6];
	[sflag:s3] =	ssyncadd.s32 $0xFFFFF800  }
0x9c: {  	[tilespmem:s7], [sflag:$0x1] =	stream.indirect.gather [hbm4b:s6+s5], $0x30, s2, s5, $0xb8;
	[tilespmem:$0x1F000] =	vst v63  }
0x9d: {  	s15 =	rddreg [dreg:$0x8]  }
0x9e: {  	[tilespmem:s14], [sflag:$0x1] =	stream.indirect.gather [hbm4b:s6+s5], $0x30, s5, s5, $0xb8;
	[tilespmem:$0x1F000] =	vst v63  }
0x9f: {  	s16 =	rddreg [dreg:$0xa]  }
0xa0: {  	[tilespmem:s15], [sflag:$0x1] =	stream.indirect.gather [hbm4b:s6+s5], $0x30, s13, s5, $0xb8;
	[tilespmem:$0x1F000] =	vst v63  }
0xa1: {  	s14 =	rddreg [dreg:$0x9]  }
0xa2: {  	[tilespmem:s16], [sflag:$0x1] =	stream.indirect.gather [hbm4b:s6+s5], $0x30, s14, s5, $0xb8;
	[tilespmem:$0x1F000] =	vst v63  }
0xa3: {  	s13 =	rddreg [dreg:$0xb]  }
0xa4: {  	[tilespmem:s12], [sflag:$0x1] =	stream.indirect.gather [hbm4b:s6+s5], $0x30, s13, s5, $0xb8;
	[tilespmem:$0x1F000] =	vst v63  }
0xa5: {  	s15 =	rddreg [dreg:$0xd]  }
0xa6: {  	[tilespmem:s11], [sflag:$0x1] =	stream.indirect.gather [hbm4b:s6+s5], $0x30, s15, s5, $0xb8;
	[tilespmem:$0x1F000] =	vst v63  }
0xa7: {  	s16 =	rddreg [dreg:$0xf]  }
0xa8: {  	[tilespmem:s10], [sflag:$0x1] =	stream.indirect.gather [hbm4b:s6+s5], $0x30, s16, s5, $0xb8;
	[tilespmem:$0x1F000] =	vst v63  }
0xa9: {  	s13 =	rddreg [dreg:$0x11]  }
0xaa: {  	[tilespmem:s9], [sflag:$0x1] =	stream.indirect.gather [hbm4b:s6+s5], $0x30, s13, s5, $0xb8;
	[tilespmem:$0x1F000] =	vst v63  }
0xab: {  	s14 =	rddreg [dreg:$0x13]  }
0xac: {  	[tilespmem:s0], [sflag:$0x1] =	stream.indirect.gather [hbm4b:s6+s5], $0x30, s14, s5, $0xb8;
	[tilespmem:$0x1F000] =	vst v63  }
0xad: {  	s15 =	simm.s32 $0x480;
	s16 =	simm.s32 $0xE800  }
0xae: {  	[tilespmem:s16], [sflag:$0x1] =	stream.indirect.gather [hbm4b:s6+s5], $0x30, s15, s5, $0xb8;
	[tilespmem:$0x1F000] =	vst v63  }
0xaf: {  	_ = 	snop  }
0xb0: {  	[tilespmem:s8], [sflag:$0x1] =	stream.indirect.gather [hbm4b:s6+s5], $0x30, s4, s5, $0xb8;
	[tilespmem:$0x1F000] =	vst v63  }
0xb1: {  	s11 =	simm.s32 $0x11800;
	s10 =	simm.s32 $0x880  }
0xb2: {  	[tilespmem:s11], [sflag:$0x1] =	stream.indirect.gather [hbm4b:s6+s5], $0x30, s10, s5, $0xb8;
	[tilespmem:$0x1F000] =	vst v63  }
0xb3: {  	s12 =	simm.s32 $0x900;
	s13 =	simm.s32 $0x13000  }
0xb4: {  	[tilespmem:s13], [sflag:$0x1] =	stream.indirect.gather [hbm4b:s6+s5], $0x30, s12, s5, $0xb8;
	[tilespmem:$0x1F000] =	vst v63  }
0xb5: {  	s14 =	simm.s32 $0x980;
	s15 =	simm.s32 $0x14800  }
0xb6: {  	[tilespmem:s15], [sflag:$0x1] =	stream.indirect.gather [hbm4b:s6+s5], $0x30, s14, s5, $0xb8;
	[tilespmem:$0x1F000] =	vst v63  }
0xb7: {  	_ = 	snop  }
0xb8: {  	[tilespmem:s18], [sflag:$0x1] =	stream.indirect.gather [hbm4b:s6+s5], $0x30, s17, s5, $0xb8;
	[tilespmem:$0x1F000] =	vst v63  }
0xb9: {  	_ = 	snop  }
0xba: {  	[tilespmem:s20], [sflag:$0x1] =	stream.indirect.gather [hbm4b:s6+s5], $0x30, s19, s5, $0xb8;
	[tilespmem:$0x1F000] =	vst v63  }
0xbb: {  	_ = 	snop  }
0xbc: {  	[tilespmem:s22], [sflag:$0x1] =	stream.indirect.gather [hbm4b:s6+s5], $0x30, s21, s5, $0xb8;
	[tilespmem:$0x1F000] =	vst v63  }
0xbd: {  	_ = 	snop  }
0xbe: {  	[tilespmem:s24], [sflag:$0x1] =	stream.indirect.gather [hbm4b:s6+s5], $0x30, s23, s5, $0xb8;
	[tilespmem:$0x1F000] =	vst v63  }
0xbf: {  	_ = 	snop  }
0xc0: {  	[tilespmem:s26], [sflag:$0x1] =	stream.indirect.gather [hbm4b:s6+s5], $0x30, s25, s5, $0xb8;
	[tilespmem:$0x1F000] =	vst v63  }
0xc1: {  	_ = 	snop  }
0xc2: {  	[tilespmem:s29], [sflag:$0x1] =	stream.indirect.gather [hbm4b:s6+s5], $0x30, s28, s5, $0xb8;
	[tilespmem:$0x1F000] =	vst v63  }
0xc3: {  	_ =	swait.ge [sflag:s30], $0x1800  }
0xc4: {  	[sflag:s30] =	ssyncset.done $0x0  }
0xc5: {  	[sflag:s30] =	ssyncadd.s32 $0xFFFFE800  }
0xc6: {  	_ =	swait.ge [sflag:s30], $0x1800  }
0xc7: {  	[sflag:s30] =	ssyncset.done $0x0  }
0xc8: {  	[sflag:s30] =	ssyncadd.s32 $0xFFFFE800  }
0xc9: {  	_ =	swait.ge [sflag:s30], $0x1800  }
0xca: {  	[sflag:s30] =	ssyncset.done $0x0  }
0xcb: {  	[sflag:s30] =	ssyncadd.s32 $0xFFFFE800  }
0xcc: {  	_ =	swait.ge [sflag:s30], $0x1800  }
0xcd: {  	[sflag:s30] =	ssyncset.done $0x0  }
0xce: {  	[sflag:s30] =	ssyncadd.s32 $0xFFFFE800  }
0xcf: {  	_ =	swait.ge [sflag:s30], $0x1800  }
0xd0: {  	[sflag:s30] =	ssyncset.done $0x0  }
0xd1: {  	[sflag:s30] =	ssyncadd.s32 $0xFFFFE800  }
0xd2: {  	_ =	swait.ge [sflag:s30], $0x1800  }
0xd3: {  	[sflag:s30] =	ssyncset.done $0x0  }
0xd4: {  	[sflag:s30] =	ssyncadd.s32 $0xFFFFE800  }
0xd5: {  	_ =	swait.ge [sflag:s30], $0x1800  }
0xd6: {  	[sflag:s30] =	ssyncset.done $0x0  }
0xd7: {  	[sflag:s30] =	ssyncadd.s32 $0xFFFFE800  }
0xd8: {  	_ =	swait.ge [sflag:s30], $0x1800  }
0xd9: {  	[sflag:s30] =	ssyncset.done $0x0  }
0xda: {  	[sflag:s30] =	ssyncadd.s32 $0xFFFFE800  }
0xdb: {  	_ =	swait.ge [sflag:s30], $0x1800  }
0xdc: {  	[sflag:s30] =	ssyncset.done $0x0  }
0xdd: {  	[sflag:s30] =	ssyncadd.s32 $0xFFFFE800  }
0xde: {  	_ =	swait.ge [sflag:s30], $0x1800  }
0xdf: {  	[sflag:s30] =	ssyncset.done $0x0  }
0xe0: {  	[sflag:s30] =	ssyncadd.s32 $0xFFFFE800  }
0xe1: {  	_ =	swait.ge [sflag:s30], $0x1800  }
0xe2: {  	[sflag:s30] =	ssyncset.done $0x0  }
0xe3: {  	[sflag:s30] =	ssyncadd.s32 $0xFFFFE800  }
0xe4: {  	_ =	swait.ge [sflag:s30], $0x1800  }
0xe5: {  	[sflag:s30] =	ssyncset.done $0x0  }
0xe6: {  	[sflag:s30] =	ssyncadd.s32 $0xFFFFE800  }
0xe7: {  	_ =	swait.ge [sflag:s30], $0x1800  }
0xe8: {  	[sflag:s30] =	ssyncset.done $0x0  }
0xe9: {  	[sflag:s30] =	ssyncadd.s32 $0xFFFFE800  }
0xea: {  	_ =	swait.ge [sflag:s30], $0x1800  }
0xeb: {  	[sflag:s30] =	ssyncset.done $0x0  }
0xec: {  	[sflag:s30] =	ssyncadd.s32 $0xFFFFE800  }
0xed: {  	_ =	swait.ge [sflag:s30], $0x1800  }
0xee: {  	[sflag:s30] =	ssyncset.done $0x0  }
0xef: {  	[sflag:s30] =	ssyncadd.s32 $0xFFFFE800  }
0xf0: {  	_ =	swait.ge [sflag:s30], $0x1800  }
0xf1: {  	[sflag:s30] =	ssyncset.done $0x0  }
0xf2: {  	[sflag:s30] =	ssyncadd.s32 $0xFFFFE800  }
0xf3: {  	_ =	swait.ge [sflag:s30], $0x1800  }
0xf4: {  	[sflag:s30] =	ssyncset.done $0x0  }
0xf5: {  	[sflag:s30] =	ssyncadd.s32 $0xFFFFE800  }
0xf6: {  	_ =	swait.ge [sflag:s30], $0x1800  }
0xf7: {  	[sflag:s30] =	ssyncset.done $0x0  }
0xf8: {  	[sflag:s30] =	ssyncadd.s32 $0xFFFFE800  }
0xf9: {  	_ =	swait.ge [sflag:s30], $0x1800  }
0xfa: {  	[sflag:s30] =	ssyncset.done $0x0  }
0xfb: {  	p0 =	sne.s32 s1, $0x1;
	[sflag:s30] =	ssyncadd.s32 $0xFFFFE800  }
.Ltmp1:
0xfc: {  	_ =	swait.ge [sflag:s30], $0x1800;
	(pc) =	sbr.rel @p0 .LBB2_1-.Ltmp1, $4  }
0xfd: {  	[sflag:s30] =	ssyncset.done $0x0  }
0xfe: {  	s16 =	rddreg [dreg:$0x4];
	[sflag:s30] =	ssyncadd.s32 $0xFFFFE800  }
0xff: {  	[hbm4b:s16+s31] =	stream.strided.scatter [tilespmem:s7], [sflag:$0x2], $0xF000, s5, s31, $0x38;
	[tilespmem:$0x1F000] =	vst v63  }
0x100: {  	s1 =	sadd.s32 $0xFFFFFFFF, s1;
	_ =	swait.ge [sflag:s3], $0xF000  }
.LBB2_2:
0x101: {  	[sflag:s3] =	ssyncset.done $0x0  }
0x102: {  	s0 =	rddreg [dreg:$0x5];
	[sflag:s3] =	ssyncadd.s32 $0xFFFF1000  }
0x103: {  	[hbm4b:s0+s31] =	stream.strided.scatter [tilespmem:s8], [sflag:$0x2], $0xF000, s5, s31, $0x38;
	[tilespmem:$0x1F000] =	vst v63  }
0x104: {  	_ =	swait.ge [sflag:s3], $0xF000  }
0x105: {  	[sflag:s3] =	ssyncset.done $0x0  }
0x106: {  	[sflag:s3] =	ssyncadd.s32 $0xFFFF1000  }
0x107: {  	_ =	sfence.sel $0x180000  }
0x108: {  	[bflag:$0x0] =	sbarrier.arrive $0xFFFF  }
0x109: {  	_ =	strace $0x90000047  }
0x10a: {  	s31 =	stileid.u32;
	[bflag:$0x2] =	sbarrier.arrive $0xFFFF  }
0x10b: {  	p0 =	sne.s32 s31, $0x0;
	s0 =	rddreg [dreg:$0x1]  }
0x10c: {  	s0 =	sadd.s32 @!p0 $0x100000, s0  }
0x10d: {  	[sflag:s0] =	ssyncadd.tile.s32 @!p0 $0x1;
	_ =	shalt  }
.Lfunc_end2:
_tile_overlayer_lowered:
.L_overlay_start_2:
0x10e: {  	(tag) =	ssettag $0x2  }
0x10f: {  	s0 =	rddreg [dreg:$0x0];
	s2 =	stileid.u32  }
0x110: {  	s1 =	rddreg [dreg:$0x1];
	p0 =	sne.s32 s2, $0x0  }
0x111: {  	s3 =	rddreg [dreg:$0x2];
	[bflag:$0x3] =	sbarrier.arrive $0xFFFF;
	s2 =	simm.s32 @!p0 $0x1C02  }
0x112: {  	[timem:s3], [sflag:s2] =	dma.local @!p0 [hbm:s0], s1  }
0x113: {  	s0 =	simm.s32 @!p0 $0x2  }
0x114: {  	_ =	swait.ge @!p0 [sflag:s0], s1  }
0x115: {  	s1 =	ssub.s32 @!p0 $0x0, s1;
	[sflag:s0] =	ssyncset.done @!p0 $0x0  }
0x116: {  	[sflag:s0] =	ssyncadd.s32 @!p0 s1  }
0x117: {  	[bflag:$0x3] =	sbarrier.arrive $0xFFFF  }
0x118: {  	_ =	shalt  }

</sc_bundles>
